<compile_context>
chip_gen: v7x
topology: tpu7x:2x2x1
jax: 0.10.2.dev20260603
libtpu: 0.0.44.dev20260713+nightly
codegen_flags: <defaults>
</compile_context>

<pallas_src>
import functools
import math

import jax
import jax.numpy as jnp
from jax import lax
from jax.experimental import pallas as pl
from jax.experimental.pallas import tpu as pltpu
from jax.experimental.pallas import tpu_sc as plsc

D_MODEL = 512
SCALE = math.sqrt(D_MODEL)

NC = 2
NS = 16
NW = NC * NS
LANES = 16

CHUNK = 32
NBUF = 2


def _make_gather_kernel(B: int):
    assert B % (8 * NW) == 0
    b_per_w = B // NW
    assert b_per_w % (NBUF * CHUNK) == 0
    n_iters = b_per_w // (NBUF * CHUNK)

    mesh = plsc.VectorSubcoreMesh(core_axis_name="c", subcore_axis_name="s")

    @functools.partial(
        pl.kernel,
        mesh=mesh,
        out_type=jax.ShapeDtypeStruct((B, D_MODEL), jnp.float32),
        scratch_types=(
            [pltpu.VMEM((b_per_w,), jnp.int32)]
            + [pltpu.VMEM((CHUNK, D_MODEL), jnp.float32)] * (2 * NBUF)
            + [pltpu.SemaphoreType.DMA] * (2 * NBUF)
        ),
    )
    def gather_scale(table_hbm, idx_hbm, out_hbm, idx_all, *bufs_and_sems):
        ibuf = bufs_and_sems[0:NBUF]
        obuf = bufs_and_sems[NBUF:2 * NBUF]
        sg = bufs_and_sems[2 * NBUF:3 * NBUF]
        ss = bufs_and_sems[3 * NBUF:4 * NBUF]
        wid = lax.axis_index("s") * NC + lax.axis_index("c")
        w_base = wid * b_per_w

        pltpu.sync_copy(idx_hbm.at[pl.ds(pl.multiple_of(w_base, 8), b_per_w)],
                        idx_all)

        def start_gather(b, g):
            off = pl.multiple_of(g * CHUNK, 8)
            pltpu.async_copy(table_hbm.at[idx_all.at[pl.ds(off, CHUNK)]],
                             ibuf[b], sg[b])

        def wait_gather(b, g):
            off = pl.multiple_of(g * CHUNK, 8)
            pltpu.make_async_copy(table_hbm.at[idx_all.at[pl.ds(off, CHUNK)]],
                                  ibuf[b], sg[b]).wait()

        def scale_rows(b):
            def row_body(r, c2):
                for i in range(D_MODEL // LANES):
                    sl = pl.ds(i * LANES, LANES)
                    obuf[b][r, sl] = ibuf[b][r, sl] * SCALE
                return c2

            lax.fori_loop(0, CHUNK, row_body, 0)

        def start_scatter(b, g):
            base = pl.multiple_of(w_base + g * CHUNK, 8)
            pltpu.async_copy(obuf[b], out_hbm.at[pl.ds(base, CHUNK)], ss[b])

        def wait_scatter(b, g):
            base = pl.multiple_of(w_base + g * CHUNK, 8)
            pltpu.make_async_copy(obuf[b], out_hbm.at[pl.ds(base, CHUNK)], ss[b]).wait()

        for b in range(NBUF):
            start_gather(b, b)

        def iter_body(k, carry):
            g0 = NBUF * k
            for b in range(NBUF):
                g = g0 + b
                wait_gather(b, g)

                @pl.when(k > 0)
                def _(b=b, g=g):
                    wait_scatter(b, g - NBUF)

                scale_rows(b)
                start_scatter(b, g)

                @pl.when(k < n_iters - 1)
                def _(b=b, g=g):
                    start_gather(b, g + NBUF)
            return carry

        lax.fori_loop(0, n_iters, iter_body, 0)
        for b in range(NBUF):
            wait_scatter(b, NBUF * (n_iters - 1) + b)

    return gather_scale


def kernel(x, table):
    B = x.size
    flat_idx = x.T.reshape((B,)).astype(jnp.int32)
    out = _make_gather_kernel(B)(table, flat_idx)
    out3 = out.reshape((x.shape[1], x.shape[0], D_MODEL))
    return out3.transpose(1, 0, 2)

# --- scband reference (transcript-rebuilt; emitter-appended) ---
"""Pipeline reference for scband-embeddings-2594160246917 (READ-ONLY COPY).

The authoritative reference and input builder live on the scoring server;
editing this copy changes nothing except your own understanding.
"""

import jax, jax.numpy as jnp
import numpy as np
import math

D_MODEL = 512
VOCAB = 100000

def setup_inputs(seed: int = 0) -> dict:
    key = jax.random.key(seed)
    k1, k2 = jax.random.split(key)
    x = jax.random.randint(k1, (4096, 50), 0, VOCAB, dtype=jnp.int64 if jax.config.jax_enable_x64 else jnp.int32)
    table = jax.random.normal(k2, (VOCAB, D_MODEL), dtype=jnp.float32)
    return {"x": x, "table": table}

def reference(x, table):
    # Faithful translation of Embeddings.forward: embedding lookup scaled by sqrt(d_model)
    emb = jnp.take(table, x, axis=0)
    return emb * math.sqrt(D_MODEL)

if __name__ == "__main__":
    import jax
    _d = setup_inputs()
    print(jax.jit(kernel)(*tuple(_d.values())))

</pallas_src>

<mosaic_0001>
#map = affine_map<(d0, d1) -> (0, 0)>
#map1 = affine_map<(d0, d1) -> (0)>
module attributes {stable_mosaic.version = 14 : i64} {
  func.func @gather_scale(%arg0: i32, %arg1: i32, %arg2: memref<100000x512xf32, #tpu.memory_space<hbm>>, %arg3: memref<204800xi32, #tpu.memory_space<hbm>>, %arg4: memref<204800x512xf32, #tpu.memory_space<hbm>>, %arg5: memref<6400xi32, #tpu.memory_space<vmem>>, %arg6: memref<32x512xf32, #tpu.memory_space<vmem>>, %arg7: memref<32x512xf32, #tpu.memory_space<vmem>>, %arg8: memref<32x512xf32, #tpu.memory_space<vmem>>, %arg9: memref<32x512xf32, #tpu.memory_space<vmem>>, %arg10: memref<!tpu.dma_semaphore, #tpu.memory_space<semaphore_mem>>, %arg11: memref<!tpu.dma_semaphore, #tpu.memory_space<semaphore_mem>>, %arg12: memref<!tpu.dma_semaphore, #tpu.memory_space<semaphore_mem>>, %arg13: memref<!tpu.dma_semaphore, #tpu.memory_space<semaphore_mem>>) attributes {dimension_semantics = [#tpu.dimension_semantics<core_parallel>, #tpu.dimension_semantics<subcore_parallel>], iteration_bounds = array<i64: 2, 16>, scalar_prefetch = 0 : i64, scratch_operands = 9 : i64, tpu.core_type = #tpu.core_type<sc_vector_subcore>, window_params = [{transform_indices = #map}, {transform_indices = #map1}, {transform_indices = #map}]} {
    %mul3A = arith.constant 2 : i32
    %mul3A_0 = arith.muli %arg1, %mul3A : i32
    %add3A = arith.addi %mul3A_0, %arg0 : i32
    %mul3A_1 = arith.constant 6400 : i32
    %mul3A_2 = arith.muli %add3A, %mul3A_1 : i32
    %multiple_of3A = tpu.assume_multiple %mul3A_2, 8 : i32
    "tpu.region"() ({
      %run_scoped3A = tpu.sem_alloc : memref<!tpu.dma_semaphore, #tpu.memory_space<semaphore_mem>>
      %dma_start3A_32 = tpu.memref_slice %arg3[%multiple_of3A] : memref<204800xi32, #tpu.memory_space<hbm>> -> memref<6400xi32, #tpu.memory_space<hbm>>
      %dma_start3A_33 = tpu.memref_slice %arg3[%multiple_of3A] : memref<204800xi32, #tpu.memory_space<hbm>> -> memref<6400xi32, #tpu.memory_space<hbm>>
      tpu.enqueue_dma source(%dma_start3A_33 : memref<6400xi32, #tpu.memory_space<hbm>>) target(%arg5 : memref<6400xi32, #tpu.memory_space<vmem>>) target_semaphore(%run_scoped3A : memref<!tpu.dma_semaphore, #tpu.memory_space<semaphore_mem>>)
      %dma_wait3A_34 = tpu.memref_slice %arg3[%multiple_of3A] : memref<204800xi32, #tpu.memory_space<hbm>> -> memref<6400xi32, #tpu.memory_space<hbm>>
      %dma_wait3A_35 = tpu.memref_slice %arg3[%multiple_of3A] : memref<204800xi32, #tpu.memory_space<hbm>> -> memref<6400xi32, #tpu.memory_space<hbm>>
      tpu.wait_dma2 semaphore(%run_scoped3A : memref<!tpu.dma_semaphore, #tpu.memory_space<semaphore_mem>>) src(%dma_wait3A_35 : memref<6400xi32, #tpu.memory_space<hbm>>) dst(%arg5 : memref<6400xi32, #tpu.memory_space<vmem>>)
      tpu.yield
    }) : () -> ()
    %multiple_of3A_3 = arith.constant 0 : i32
    %multiple_of3A_4 = tpu.assume_multiple %multiple_of3A_3, 8 : i32
    %dma_start3A = tpu.memref_slice %arg5[%multiple_of3A_4] : memref<6400xi32, #tpu.memory_space<vmem>> -> memref<32xi32, #tpu.memory_space<vmem>>
    %dma_start3A_5 = arith.constant 0 : i32
    %dma_start3A_6 = arith.constant 0 : i32
    %dma_start3A_7 = tpu.memref_slice %arg2[%dma_start3A_5, %dma_start3A_6] : memref<100000x512xf32, #tpu.memory_space<hbm>> -> memref<100000x512xf32, #tpu.memory_space<hbm>>
    tpu.enqueue_indirect_dma source(%dma_start3A_7 : memref<100000x512xf32, #tpu.memory_space<hbm>>) target(%arg6 : memref<32x512xf32, #tpu.memory_space<vmem>>) offsets(%dma_start3A : memref<32xi32, #tpu.memory_space<vmem>>) semaphore(%arg10 : memref<!tpu.dma_semaphore, #tpu.memory_space<semaphore_mem>>)
    %multiple_of3A_8 = arith.constant 32 : i32
    %multiple_of3A_9 = tpu.assume_multiple %multiple_of3A_8, 8 : i32
    %dma_start3A_10 = tpu.memref_slice %arg5[%multiple_of3A_9] : memref<6400xi32, #tpu.memory_space<vmem>> -> memref<32xi32, #tpu.memory_space<vmem>>
    %dma_start3A_11 = arith.constant 0 : i32
    %dma_start3A_12 = arith.constant 0 : i32
    %dma_start3A_13 = tpu.memref_slice %arg2[%dma_start3A_11, %dma_start3A_12] : memref<100000x512xf32, #tpu.memory_space<hbm>> -> memref<100000x512xf32, #tpu.memory_space<hbm>>
    tpu.enqueue_indirect_dma source(%dma_start3A_13 : memref<100000x512xf32, #tpu.memory_space<hbm>>) target(%arg7 : memref<32x512xf32, #tpu.memory_space<vmem>>) offsets(%dma_start3A_10 : memref<32xi32, #tpu.memory_space<vmem>>) semaphore(%arg11 : memref<!tpu.dma_semaphore, #tpu.memory_space<semaphore_mem>>)
    %scan3A = arith.constant 0 : i32
    %scan3A_14 = arith.constant 0 : i32
    %scan3A_15 = arith.constant 100 : i32
    %scan3A_16 = arith.addi %scan3A_14, %scan3A_15 : i32
    %scan3A_17 = arith.constant 1 : i32
    scf.for %scan3A_32 = %scan3A_14 to %scan3A_16 step %scan3A_17  : i32 {
      %mul3A_33 = arith.constant 2 : i32
      %mul3A_34 = arith.muli %mul3A_33, %scan3A_32 : i32
      %add3A_35 = arith.constant 0 : i32
      %add3A_36 = arith.addi %mul3A_34, %add3A_35 : i32
      %mul3A_37 = arith.constant 32 : i32
      %mul3A_38 = arith.muli %add3A_36, %mul3A_37 : i32
      %multiple_of3A_39 = tpu.assume_multiple %mul3A_38, 8 : i32
      %dma_wait3A_40 = tpu.memref_slice %arg5[%multiple_of3A_39] : memref<6400xi32, #tpu.memory_space<vmem>> -> memref<32xi32, #tpu.memory_space<vmem>>
      %dma_wait3A_41 = arith.constant 0 : i32
      %dma_wait3A_42 = arith.constant 0 : i32
      %dma_wait3A_43 = tpu.memref_slice %arg2[%dma_wait3A_41, %dma_wait3A_42] : memref<100000x512xf32, #tpu.memory_space<hbm>> -> memref<100000x512xf32, #tpu.memory_space<hbm>>
      tpu.wait_indirect_dma semaphore(%arg10 : memref<!tpu.dma_semaphore, #tpu.memory_space<semaphore_mem>>) src(%dma_wait3A_43 : memref<100000x512xf32, #tpu.memory_space<hbm>>) dst(%arg6 : memref<32x512xf32, #tpu.memory_space<vmem>>)
      %gt3A = arith.constant 0 : i32
      %gt3A_44 = arith.cmpi sgt, %scan3A_32, %gt3A : i32
      %convert_element_type3A = arith.extui %gt3A_44 : i1 to i32
      %cond3A = arith.constant 0 : i32
      %cond3A_45 = arith.cmpi ne, %convert_element_type3A, %cond3A : i32
      scf.if %cond3A_45 {
        %sub3A = arith.constant 2 : i32
        %sub3A_97 = arith.subi %add3A_36, %sub3A : i32
        %mul3A_98 = arith.constant 32 : i32
        %mul3A_99 = arith.muli %sub3A_97, %mul3A_98 : i32
        %add3A_100 = arith.addi %mul3A_2, %mul3A_99 : i32
        %multiple_of3A_101 = tpu.assume_multiple %add3A_100, 8 : i32
        %dma_wait3A_102 = arith.constant 0 : i32
        %dma_wait3A_103 = tpu.memref_slice %arg4[%multiple_of3A_101, %dma_wait3A_102] : memref<204800x512xf32, #tpu.memory_space<hbm>> -> memref<32x512xf32, #tpu.memory_space<hbm>>
        %dma_wait3A_104 = arith.constant 0 : i32
        %dma_wait3A_105 = tpu.memref_slice %arg4[%multiple_of3A_101, %dma_wait3A_104] : memref<204800x512xf32, #tpu.memory_space<hbm>> -> memref<32x512xf32, #tpu.memory_space<hbm>>
        tpu.wait_dma2 semaphore(%arg12 : memref<!tpu.dma_semaphore, #tpu.memory_space<semaphore_mem>>) src(%arg8 : memref<32x512xf32, #tpu.memory_space<vmem>>) dst(%dma_wait3A_105 : memref<32x512xf32, #tpu.memory_space<hbm>>)
      } else {
      }
      %scan3A_46 = arith.constant 0 : i32
      %scan3A_47 = arith.constant 0 : i32
      %scan3A_48 = arith.constant 32 : i32
      %scan3A_49 = arith.addi %scan3A_47, %scan3A_48 : i32
      %scan3A_50 = arith.constant 1 : i32
      scf.for %scan3A_97 = %scan3A_47 to %scan3A_49 step %scan3A_50  : i32 {
        %get3A = arith.index_cast %scan3A_97 : i32 to index
        %get3A_98 = arith.constant 0 : index
        %get3A_99 = tpu.vector_load %arg6[%get3A, %get3A_98] {strides = array<i32>} : memref<32x512xf32, #tpu.memory_space<vmem>>, vector<1x16xf32>,
        %get3A_100 = vector.shape_cast %get3A_99 : vector<1x16xf32> to vector<16xf32>
        %mul3A_101 = arith.constant 22.6274166 : f32
        %mul3A_102 = vector.broadcast %mul3A_101 : f32 to vector<16xf32>
        %mul3A_103 = arith.mulf %get3A_100, %mul3A_102 : vector<16xf32>
        %swap3A = arith.index_cast %scan3A_97 : i32 to index
        %swap3A_104 = arith.constant 0 : index
        %swap3A_105 = tpu.vector_load %arg8[%swap3A, %swap3A_104] {strides = array<i32>} : memref<32x512xf32, #tpu.memory_space<vmem>>, vector<1x16xf32>,
        %swap3A_106 = vector.shape_cast %swap3A_105 : vector<1x16xf32> to vector<16xf32>
        %swap3A_107 = vector.shape_cast %mul3A_103 : vector<16xf32> to vector<1x16xf32>
        tpu.vector_store %arg8[%swap3A, %swap3A_104], %swap3A_107 {strides = array<i32>} : memref<32x512xf32, #tpu.memory_space<vmem>>, vector<1x16xf32>,
        %get3A_108 = arith.index_cast %scan3A_97 : i32 to index
        %get3A_109 = arith.constant 16 : index
        %get3A_110 = tpu.vector_load %arg6[%get3A_108, %get3A_109] {strides = array<i32>} : memref<32x512xf32, #tpu.memory_space<vmem>>, vector<1x16xf32>,
        %get3A_111 = vector.shape_cast %get3A_110 : vector<1x16xf32> to vector<16xf32>
        %mul3A_112 = arith.constant 22.6274166 : f32
        %mul3A_113 = vector.broadcast %mul3A_112 : f32 to vector<16xf32>
        %mul3A_114 = arith.mulf %get3A_111, %mul3A_113 : vector<16xf32>
        %swap3A_115 = arith.index_cast %scan3A_97 : i32 to index
        %swap3A_116 = arith.constant 16 : index
        %swap3A_117 = tpu.vector_load %arg8[%swap3A_115, %swap3A_116] {strides = array<i32>} : memref<32x512xf32, #tpu.memory_space<vmem>>, vector<1x16xf32>,
        %swap3A_118 = vector.shape_cast %swap3A_117 : vector<1x16xf32> to vector<16xf32>
        %swap3A_119 = vector.shape_cast %mul3A_114 : vector<16xf32> to vector<1x16xf32>
        tpu.vector_store %arg8[%swap3A_115, %swap3A_116], %swap3A_119 {strides = array<i32>} : memref<32x512xf32, #tpu.memory_space<vmem>>, vector<1x16xf32>,
        %get3A_120 = arith.index_cast %scan3A_97 : i32 to index
        %get3A_121 = arith.constant 32 : index
        %get3A_122 = tpu.vector_load %arg6[%get3A_120, %get3A_121] {strides = array<i32>} : memref<32x512xf32, #tpu.memory_space<vmem>>, vector<1x16xf32>,
        %get3A_123 = vector.shape_cast %get3A_122 : vector<1x16xf32> to vector<16xf32>
        %mul3A_124 = arith.constant 22.6274166 : f32
        %mul3A_125 = vector.broadcast %mul3A_124 : f32 to vector<16xf32>
        %mul3A_126 = arith.mulf %get3A_123, %mul3A_125 : vector<16xf32>
        %swap3A_127 = arith.index_cast %scan3A_97 : i32 to index
        %swap3A_128 = arith.constant 32 : index
        %swap3A_129 = tpu.vector_load %arg8[%swap3A_127, %swap3A_128] {strides = array<i32>} : memref<32x512xf32, #tpu.memory_space<vmem>>, vector<1x16xf32>,
        %swap3A_130 = vector.shape_cast %swap3A_129 : vector<1x16xf32> to vector<16xf32>
        %swap3A_131 = vector.shape_cast %mul3A_126 : vector<16xf32> to vector<1x16xf32>
        tpu.vector_store %arg8[%swap3A_127, %swap3A_128], %swap3A_131 {strides = array<i32>} : memref<32x512xf32, #tpu.memory_space<vmem>>, vector<1x16xf32>,
        %get3A_132 = arith.index_cast %scan3A_97 : i32 to index
        %get3A_133 = arith.constant 48 : index
        %get3A_134 = tpu.vector_load %arg6[%get3A_132, %get3A_133] {strides = array<i32>} : memref<32x512xf32, #tpu.memory_space<vmem>>, vector<1x16xf32>,
        %get3A_135 = vector.shape_cast %get3A_134 : vector<1x16xf32> to vector<16xf32>
        %mul3A_136 = arith.constant 22.6274166 : f32
        %mul3A_137 = vector.broadcast %mul3A_136 : f32 to vector<16xf32>
        %mul3A_138 = arith.mulf %get3A_135, %mul3A_137 : vector<16xf32>
        %swap3A_139 = arith.index_cast %scan3A_97 : i32 to index
        %swap3A_140 = arith.constant 48 : index
        %swap3A_141 = tpu.vector_load %arg8[%swap3A_139, %swap3A_140] {strides = array<i32>} : memref<32x512xf32, #tpu.memory_space<vmem>>, vector<1x16xf32>,
        %swap3A_142 = vector.shape_cast %swap3A_141 : vector<1x16xf32> to vector<16xf32>
        %swap3A_143 = vector.shape_cast %mul3A_138 : vector<16xf32> to vector<1x16xf32>
        tpu.vector_store %arg8[%swap3A_139, %swap3A_140], %swap3A_143 {strides = array<i32>} : memref<32x512xf32, #tpu.memory_space<vmem>>, vector<1x16xf32>,
        %get3A_144 = arith.index_cast %scan3A_97 : i32 to index
        %get3A_145 = arith.constant 64 : index
        %get3A_146 = tpu.vector_load %arg6[%get3A_144, %get3A_145] {strides = array<i32>} : memref<32x512xf32, #tpu.memory_space<vmem>>, vector<1x16xf32>,
        %get3A_147 = vector.shape_cast %get3A_146 : vector<1x16xf32> to vector<16xf32>
        %mul3A_148 = arith.constant 22.6274166 : f32
        %mul3A_149 = vector.broadcast %mul3A_148 : f32 to vector<16xf32>
        %mul3A_150 = arith.mulf %get3A_147, %mul3A_149 : vector<16xf32>
        %swap3A_151 = arith.index_cast %scan3A_97 : i32 to index
        %swap3A_152 = arith.constant 64 : index
        %swap3A_153 = tpu.vector_load %arg8[%swap3A_151, %swap3A_152] {strides = array<i32>} : memref<32x512xf32, #tpu.memory_space<vmem>>, vector<1x16xf32>,
        %swap3A_154 = vector.shape_cast %swap3A_153 : vector<1x16xf32> to vector<16xf32>
        %swap3A_155 = vector.shape_cast %mul3A_150 : vector<16xf32> to vector<1x16xf32>
        tpu.vector_store %arg8[%swap3A_151, %swap3A_152], %swap3A_155 {strides = array<i32>} : memref<32x512xf32, #tpu.memory_space<vmem>>, vector<1x16xf32>,
        %get3A_156 = arith.index_cast %scan3A_97 : i32 to index
        %get3A_157 = arith.constant 80 : index
        %get3A_158 = tpu.vector_load %arg6[%get3A_156, %get3A_157] {strides = array<i32>} : memref<32x512xf32, #tpu.memory_space<vmem>>, vector<1x16xf32>,
        %get3A_159 = vector.shape_cast %get3A_158 : vector<1x16xf32> to vector<16xf32>
        %mul3A_160 = arith.constant 22.6274166 : f32
        %mul3A_161 = vector.broadcast %mul3A_160 : f32 to vector<16xf32>
        %mul3A_162 = arith.mulf %get3A_159, %mul3A_161 : vector<16xf32>
        %swap3A_163 = arith.index_cast %scan3A_97 : i32 to index
        %swap3A_164 = arith.constant 80 : index
        %swap3A_165 = tpu.vector_load %arg8[%swap3A_163, %swap3A_164] {strides = array<i32>} : memref<32x512xf32, #tpu.memory_space<vmem>>, vector<1x16xf32>,
        %swap3A_166 = vector.shape_cast %swap3A_165 : vector<1x16xf32> to vector<16xf32>
        %swap3A_167 = vector.shape_cast %mul3A_162 : vector<16xf32> to vector<1x16xf32>
        tpu.vector_store %arg8[%swap3A_163, %swap3A_164], %swap3A_167 {strides = array<i32>} : memref<32x512xf32, #tpu.memory_space<vmem>>, vector<1x16xf32>,
        %get3A_168 = arith.index_cast %scan3A_97 : i32 to index
        %get3A_169 = arith.constant 96 : index
        %get3A_170 = tpu.vector_load %arg6[%get3A_168, %get3A_169] {strides = array<i32>} : memref<32x512xf32, #tpu.memory_space<vmem>>, vector<1x16xf32>,
        %get3A_171 = vector.shape_cast %get3A_170 : vector<1x16xf32> to vector<16xf32>
        %mul3A_172 = arith.constant 22.6274166 : f32
        %mul3A_173 = vector.broadcast %mul3A_172 : f32 to vector<16xf32>
        %mul3A_174 = arith.mulf %get3A_171, %mul3A_173 : vector<16xf32>
        %swap3A_175 = arith.index_cast %scan3A_97 : i32 to index
        %swap3A_176 = arith.constant 96 : index
        %swap3A_177 = tpu.vector_load %arg8[%swap3A_175, %swap3A_176] {strides = array<i32>} : memref<32x512xf32, #tpu.memory_space<vmem>>, vector<1x16xf32>,
        %swap3A_178 = vector.shape_cast %swap3A_177 : vector<1x16xf32> to vector<16xf32>
        %swap3A_179 = vector.shape_cast %mul3A_174 : vector<16xf32> to vector<1x16xf32>
        tpu.vector_store %arg8[%swap3A_175, %swap3A_176], %swap3A_179 {strides = array<i32>} : memref<32x512xf32, #tpu.memory_space<vmem>>, vector<1x16xf32>,
        %get3A_180 = arith.index_cast %scan3A_97 : i32 to index
        %get3A_181 = arith.constant 112 : index
        %get3A_182 = tpu.vector_load %arg6[%get3A_180, %get3A_181] {strides = array<i32>} : memref<32x512xf32, #tpu.memory_space<vmem>>, vector<1x16xf32>,
        %get3A_183 = vector.shape_cast %get3A_182 : vector<1x16xf32> to vector<16xf32>
        %mul3A_184 = arith.constant 22.6274166 : f32
        %mul3A_185 = vector.broadcast %mul3A_184 : f32 to vector<16xf32>
        %mul3A_186 = arith.mulf %get3A_183, %mul3A_185 : vector<16xf32>
        %swap3A_187 = arith.index_cast %scan3A_97 : i32 to index
        %swap3A_188 = arith.constant 112 : index
        %swap3A_189 = tpu.vector_load %arg8[%swap3A_187, %swap3A_188] {strides = array<i32>} : memref<32x512xf32, #tpu.memory_space<vmem>>, vector<1x16xf32>,
        %swap3A_190 = vector.shape_cast %swap3A_189 : vector<1x16xf32> to vector<16xf32>
        %swap3A_191 = vector.shape_cast %mul3A_186 : vector<16xf32> to vector<1x16xf32>
        tpu.vector_store %arg8[%swap3A_187, %swap3A_188], %swap3A_191 {strides = array<i32>} : memref<32x512xf32, #tpu.memory_space<vmem>>, vector<1x16xf32>,
        %get3A_192 = arith.index_cast %scan3A_97 : i32 to index
        %get3A_193 = arith.constant 128 : index
        %get3A_194 = tpu.vector_load %arg6[%get3A_192, %get3A_193] {strides = array<i32>} : memref<32x512xf32, #tpu.memory_space<vmem>>, vector<1x16xf32>,
        %get3A_195 = vector.shape_cast %get3A_194 : vector<1x16xf32> to vector<16xf32>
        %mul3A_196 = arith.constant 22.6274166 : f32
        %mul3A_197 = vector.broadcast %mul3A_196 : f32 to vector<16xf32>
        %mul3A_198 = arith.mulf %get3A_195, %mul3A_197 : vector<16xf32>
        %swap3A_199 = arith.index_cast %scan3A_97 : i32 to index
        %swap3A_200 = arith.constant 128 : index
        %swap3A_201 = tpu.vector_load %arg8[%swap3A_199, %swap3A_200] {strides = array<i32>} : memref<32x512xf32, #tpu.memory_space<vmem>>, vector<1x16xf32>,
        %swap3A_202 = vector.shape_cast %swap3A_201 : vector<1x16xf32> to vector<16xf32>
        %swap3A_203 = vector.shape_cast %mul3A_198 : vector<16xf32> to vector<1x16xf32>
        tpu.vector_store %arg8[%swap3A_199, %swap3A_200], %swap3A_203 {strides = array<i32>} : memref<32x512xf32, #tpu.memory_space<vmem>>, vector<1x16xf32>,
        %get3A_204 = arith.index_cast %scan3A_97 : i32 to index
        %get3A_205 = arith.constant 144 : index
        %get3A_206 = tpu.vector_load %arg6[%get3A_204, %get3A_205] {strides = array<i32>} : memref<32x512xf32, #tpu.memory_space<vmem>>, vector<1x16xf32>,
        %get3A_207 = vector.shape_cast %get3A_206 : vector<1x16xf32> to vector<16xf32>
        %mul3A_208 = arith.constant 22.6274166 : f32
        %mul3A_209 = vector.broadcast %mul3A_208 : f32 to vector<16xf32>
        %mul3A_210 = arith.mulf %get3A_207, %mul3A_209 : vector<16xf32>
        %swap3A_211 = arith.index_cast %scan3A_97 : i32 to index
        %swap3A_212 = arith.constant 144 : index
        %swap3A_213 = tpu.vector_load %arg8[%swap3A_211, %swap3A_212] {strides = array<i32>} : memref<32x512xf32, #tpu.memory_space<vmem>>, vector<1x16xf32>,
        %swap3A_214 = vector.shape_cast %swap3A_213 : vector<1x16xf32> to vector<16xf32>
        %swap3A_215 = vector.shape_cast %mul3A_210 : vector<16xf32> to vector<1x16xf32>
        tpu.vector_store %arg8[%swap3A_211, %swap3A_212], %swap3A_215 {strides = array<i32>} : memref<32x512xf32, #tpu.memory_space<vmem>>, vector<1x16xf32>,
        %get3A_216 = arith.index_cast %scan3A_97 : i32 to index
        %get3A_217 = arith.constant 160 : index
        %get3A_218 = tpu.vector_load %arg6[%get3A_216, %get3A_217] {strides = array<i32>} : memref<32x512xf32, #tpu.memory_space<vmem>>, vector<1x16xf32>,
        %get3A_219 = vector.shape_cast %get3A_218 : vector<1x16xf32> to vector<16xf32>
        %mul3A_220 = arith.constant 22.6274166 : f32
        %mul3A_221 = vector.broadcast %mul3A_220 : f32 to vector<16xf32>
        %mul3A_222 = arith.mulf %get3A_219, %mul3A_221 : vector<16xf32>
        %swap3A_223 = arith.index_cast %scan3A_97 : i32 to index
        %swap3A_224 = arith.constant 160 : index
        %swap3A_225 = tpu.vector_load %arg8[%swap3A_223, %swap3A_224] {strides = array<i32>} : memref<32x512xf32, #tpu.memory_space<vmem>>, vector<1x16xf32>,
        %swap3A_226 = vector.shape_cast %swap3A_225 : vector<1x16xf32> to vector<16xf32>
        %swap3A_227 = vector.shape_cast %mul3A_222 : vector<16xf32> to vector<1x16xf32>
        tpu.vector_store %arg8[%swap3A_223, %swap3A_224], %swap3A_227 {strides = array<i32>} : memref<32x512xf32, #tpu.memory_space<vmem>>, vector<1x16xf32>,
        %get3A_228 = arith.index_cast %scan3A_97 : i32 to index
        %get3A_229 = arith.constant 176 : index
        %get3A_230 = tpu.vector_load %arg6[%get3A_228, %get3A_229] {strides = array<i32>} : memref<32x512xf32, #tpu.memory_space<vmem>>, vector<1x16xf32>,
        %get3A_231 = vector.shape_cast %get3A_230 : vector<1x16xf32> to vector<16xf32>
        %mul3A_232 = arith.constant 22.6274166 : f32
        %mul3A_233 = vector.broadcast %mul3A_232 : f32 to vector<16xf32>
        %mul3A_234 = arith.mulf %get3A_231, %mul3A_233 : vector<16xf32>
        %swap3A_235 = arith.index_cast %scan3A_97 : i32 to index
        %swap3A_236 = arith.constant 176 : index
        %swap3A_237 = tpu.vector_load %arg8[%swap3A_235, %swap3A_236] {strides = array<i32>} : memref<32x512xf32, #tpu.memory_space<vmem>>, vector<1x16xf32>,
        %swap3A_238 = vector.shape_cast %swap3A_237 : vector<1x16xf32> to vector<16xf32>
        %swap3A_239 = vector.shape_cast %mul3A_234 : vector<16xf32> to vector<1x16xf32>
        tpu.vector_store %arg8[%swap3A_235, %swap3A_236], %swap3A_239 {strides = array<i32>} : memref<32x512xf32, #tpu.memory_space<vmem>>, vector<1x16xf32>,
        %get3A_240 = arith.index_cast %scan3A_97 : i32 to index
        %get3A_241 = arith.constant 192 : index
        %get3A_242 = tpu.vector_load %arg6[%get3A_240, %get3A_241] {strides = array<i32>} : memref<32x512xf32, #tpu.memory_space<vmem>>, vector<1x16xf32>,
        %get3A_243 = vector.shape_cast %get3A_242 : vector<1x16xf32> to vector<16xf32>
        %mul3A_244 = arith.constant 22.6274166 : f32
        %mul3A_245 = vector.broadcast %mul3A_244 : f32 to vector<16xf32>
        %mul3A_246 = arith.mulf %get3A_243, %mul3A_245 : vector<16xf32>
        %swap3A_247 = arith.index_cast %scan3A_97 : i32 to index
        %swap3A_248 = arith.constant 192 : index
        %swap3A_249 = tpu.vector_load %arg8[%swap3A_247, %swap3A_248] {strides = array<i32>} : memref<32x512xf32, #tpu.memory_space<vmem>>, vector<1x16xf32>,
        %swap3A_250 = vector.shape_cast %swap3A_249 : vector<1x16xf32> to vector<16xf32>
        %swap3A_251 = vector.shape_cast %mul3A_246 : vector<16xf32> to vector<1x16xf32>
        tpu.vector_store %arg8[%swap3A_247, %swap3A_248], %swap3A_251 {strides = array<i32>} : memref<32x512xf32, #tpu.memory_space<vmem>>, vector<1x16xf32>,
        %get3A_252 = arith.index_cast %scan3A_97 : i32 to index
        %get3A_253 = arith.constant 208 : index
        %get3A_254 = tpu.vector_load %arg6[%get3A_252, %get3A_253] {strides = array<i32>} : memref<32x512xf32, #tpu.memory_space<vmem>>, vector<1x16xf32>,
        %get3A_255 = vector.shape_cast %get3A_254 : vector<1x16xf32> to vector<16xf32>
        %mul3A_256 = arith.constant 22.6274166 : f32
        %mul3A_257 = vector.broadcast %mul3A_256 : f32 to vector<16xf32>
        %mul3A_258 = arith.mulf %get3A_255, %mul3A_257 : vector<16xf32>
        %swap3A_259 = arith.index_cast %scan3A_97 : i32 to index
        %swap3A_260 = arith.constant 208 : index
        %swap3A_261 = tpu.vector_load %arg8[%swap3A_259, %swap3A_260] {strides = array<i32>} : memref<32x512xf32, #tpu.memory_space<vmem>>, vector<1x16xf32>,
        %swap3A_262 = vector.shape_cast %swap3A_261 : vector<1x16xf32> to vector<16xf32>
        %swap3A_263 = vector.shape_cast %mul3A_258 : vector<16xf32> to vector<1x16xf32>
        tpu.vector_store %arg8[%swap3A_259, %swap3A_260], %swap3A_263 {strides = array<i32>} : memref<32x512xf32, #tpu.memory_space<vmem>>, vector<1x16xf32>,
        %get3A_264 = arith.index_cast %scan3A_97 : i32 to index
        %get3A_265 = arith.constant 224 : index
        %get3A_266 = tpu.vector_load %arg6[%get3A_264, %get3A_265] {strides = array<i32>} : memref<32x512xf32, #tpu.memory_space<vmem>>, vector<1x16xf32>,
        %get3A_267 = vector.shape_cast %get3A_266 : vector<1x16xf32> to vector<16xf32>
        %mul3A_268 = arith.constant 22.6274166 : f32
        %mul3A_269 = vector.broadcast %mul3A_268 : f32 to vector<16xf32>
        %mul3A_270 = arith.mulf %get3A_267, %mul3A_269 : vector<16xf32>
        %swap3A_271 = arith.index_cast %scan3A_97 : i32 to index
        %swap3A_272 = arith.constant 224 : index
        %swap3A_273 = tpu.vector_load %arg8[%swap3A_271, %swap3A_272] {strides = array<i32>} : memref<32x512xf32, #tpu.memory_space<vmem>>, vector<1x16xf32>,
        %swap3A_274 = vector.shape_cast %swap3A_273 : vector<1x16xf32> to vector<16xf32>
        %swap3A_275 = vector.shape_cast %mul3A_270 : vector<16xf32> to vector<1x16xf32>
        tpu.vector_store %arg8[%swap3A_271, %swap3A_272], %swap3A_275 {strides = array<i32>} : memref<32x512xf32, #tpu.memory_space<vmem>>, vector<1x16xf32>,
        %get3A_276 = arith.index_cast %scan3A_97 : i32 to index
        %get3A_277 = arith.constant 240 : index
        %get3A_278 = tpu.vector_load %arg6[%get3A_276, %get3A_277] {strides = array<i32>} : memref<32x512xf32, #tpu.memory_space<vmem>>, vector<1x16xf32>,
        %get3A_279 = vector.shape_cast %get3A_278 : vector<1x16xf32> to vector<16xf32>
        %mul3A_280 = arith.constant 22.6274166 : f32
        %mul3A_281 = vector.broadcast %mul3A_280 : f32 to vector<16xf32>
        %mul3A_282 = arith.mulf %get3A_279, %mul3A_281 : vector<16xf32>
        %swap3A_283 = arith.index_cast %scan3A_97 : i32 to index
        %swap3A_284 = arith.constant 240 : index
        %swap3A_285 = tpu.vector_load %arg8[%swap3A_283, %swap3A_284] {strides = array<i32>} : memref<32x512xf32, #tpu.memory_space<vmem>>, vector<1x16xf32>,
        %swap3A_286 = vector.shape_cast %swap3A_285 : vector<1x16xf32> to vector<16xf32>
        %swap3A_287 = vector.shape_cast %mul3A_282 : vector<16xf32> to vector<1x16xf32>
        tpu.vector_store %arg8[%swap3A_283, %swap3A_284], %swap3A_287 {strides = array<i32>} : memref<32x512xf32, #tpu.memory_space<vmem>>, vector<1x16xf32>,
        %get3A_288 = arith.index_cast %scan3A_97 : i32 to index
        %get3A_289 = arith.constant 256 : index
        %get3A_290 = tpu.vector_load %arg6[%get3A_288, %get3A_289] {strides = array<i32>} : memref<32x512xf32, #tpu.memory_space<vmem>>, vector<1x16xf32>,
        %get3A_291 = vector.shape_cast %get3A_290 : vector<1x16xf32> to vector<16xf32>
        %mul3A_292 = arith.constant 22.6274166 : f32
        %mul3A_293 = vector.broadcast %mul3A_292 : f32 to vector<16xf32>
        %mul3A_294 = arith.mulf %get3A_291, %mul3A_293 : vector<16xf32>
        %swap3A_295 = arith.index_cast %scan3A_97 : i32 to index
        %swap3A_296 = arith.constant 256 : index
        %swap3A_297 = tpu.vector_load %arg8[%swap3A_295, %swap3A_296] {strides = array<i32>} : memref<32x512xf32, #tpu.memory_space<vmem>>, vector<1x16xf32>,
        %swap3A_298 = vector.shape_cast %swap3A_297 : vector<1x16xf32> to vector<16xf32>
        %swap3A_299 = vector.shape_cast %mul3A_294 : vector<16xf32> to vector<1x16xf32>
        tpu.vector_store %arg8[%swap3A_295, %swap3A_296], %swap3A_299 {strides = array<i32>} : memref<32x512xf32, #tpu.memory_space<vmem>>, vector<1x16xf32>,
        %get3A_300 = arith.index_cast %scan3A_97 : i32 to index
        %get3A_301 = arith.constant 272 : index
        %get3A_302 = tpu.vector_load %arg6[%get3A_300, %get3A_301] {strides = array<i32>} : memref<32x512xf32, #tpu.memory_space<vmem>>, vector<1x16xf32>,
        %get3A_303 = vector.shape_cast %get3A_302 : vector<1x16xf32> to vector<16xf32>
        %mul3A_304 = arith.constant 22.6274166 : f32
        %mul3A_305 = vector.broadcast %mul3A_304 : f32 to vector<16xf32>
        %mul3A_306 = arith.mulf %get3A_303, %mul3A_305 : vector<16xf32>
        %swap3A_307 = arith.index_cast %scan3A_97 : i32 to index
        %swap3A_308 = arith.constant 272 : index
        %swap3A_309 = tpu.vector_load %arg8[%swap3A_307, %swap3A_308] {strides = array<i32>} : memref<32x512xf32, #tpu.memory_space<vmem>>, vector<1x16xf32>,
        %swap3A_310 = vector.shape_cast %swap3A_309 : vector<1x16xf32> to vector<16xf32>
        %swap3A_311 = vector.shape_cast %mul3A_306 : vector<16xf32> to vector<1x16xf32>
        tpu.vector_store %arg8[%swap3A_307, %swap3A_308], %swap3A_311 {strides = array<i32>} : memref<32x512xf32, #tpu.memory_space<vmem>>, vector<1x16xf32>,
        %get3A_312 = arith.index_cast %scan3A_97 : i32 to index
        %get3A_313 = arith.constant 288 : index
        %get3A_314 = tpu.vector_load %arg6[%get3A_312, %get3A_313] {strides = array<i32>} : memref<32x512xf32, #tpu.memory_space<vmem>>, vector<1x16xf32>,
        %get3A_315 = vector.shape_cast %get3A_314 : vector<1x16xf32> to vector<16xf32>
        %mul3A_316 = arith.constant 22.6274166 : f32
        %mul3A_317 = vector.broadcast %mul3A_316 : f32 to vector<16xf32>
        %mul3A_318 = arith.mulf %get3A_315, %mul3A_317 : vector<16xf32>
        %swap3A_319 = arith.index_cast %scan3A_97 : i32 to index
        %swap3A_320 = arith.constant 288 : index
        %swap3A_321 = tpu.vector_load %arg8[%swap3A_319, %swap3A_320] {strides = array<i32>} : memref<32x512xf32, #tpu.memory_space<vmem>>, vector<1x16xf32>,
        %swap3A_322 = vector.shape_cast %swap3A_321 : vector<1x16xf32> to vector<16xf32>
        %swap3A_323 = vector.shape_cast %mul3A_318 : vector<16xf32> to vector<1x16xf32>
        tpu.vector_store %arg8[%swap3A_319, %swap3A_320], %swap3A_323 {strides = array<i32>} : memref<32x512xf32, #tpu.memory_space<vmem>>, vector<1x16xf32>,
        %get3A_324 = arith.index_cast %scan3A_97 : i32 to index
        %get3A_325 = arith.constant 304 : index
        %get3A_326 = tpu.vector_load %arg6[%get3A_324, %get3A_325] {strides = array<i32>} : memref<32x512xf32, #tpu.memory_space<vmem>>, vector<1x16xf32>,
        %get3A_327 = vector.shape_cast %get3A_326 : vector<1x16xf32> to vector<16xf32>
        %mul3A_328 = arith.constant 22.6274166 : f32
        %mul3A_329 = vector.broadcast %mul3A_328 : f32 to vector<16xf32>
        %mul3A_330 = arith.mulf %get3A_327, %mul3A_329 : vector<16xf32>
        %swap3A_331 = arith.index_cast %scan3A_97 : i32 to index
        %swap3A_332 = arith.constant 304 : index
        %swap3A_333 = tpu.vector_load %arg8[%swap3A_331, %swap3A_332] {strides = array<i32>} : memref<32x512xf32, #tpu.memory_space<vmem>>, vector<1x16xf32>,
        %swap3A_334 = vector.shape_cast %swap3A_333 : vector<1x16xf32> to vector<16xf32>
        %swap3A_335 = vector.shape_cast %mul3A_330 : vector<16xf32> to vector<1x16xf32>
        tpu.vector_store %arg8[%swap3A_331, %swap3A_332], %swap3A_335 {strides = array<i32>} : memref<32x512xf32, #tpu.memory_space<vmem>>, vector<1x16xf32>,
        %get3A_336 = arith.index_cast %scan3A_97 : i32 to index
        %get3A_337 = arith.constant 320 : index
        %get3A_338 = tpu.vector_load %arg6[%get3A_336, %get3A_337] {strides = array<i32>} : memref<32x512xf32, #tpu.memory_space<vmem>>, vector<1x16xf32>,
        %get3A_339 = vector.shape_cast %get3A_338 : vector<1x16xf32> to vector<16xf32>
        %mul3A_340 = arith.constant 22.6274166 : f32
        %mul3A_341 = vector.broadcast %mul3A_340 : f32 to vector<16xf32>
        %mul3A_342 = arith.mulf %get3A_339, %mul3A_341 : vector<16xf32>
        %swap3A_343 = arith.index_cast %scan3A_97 : i32 to index
        %swap3A_344 = arith.constant 320 : index
        %swap3A_345 = tpu.vector_load %arg8[%swap3A_343, %swap3A_344] {strides = array<i32>} : memref<32x512xf32, #tpu.memory_space<vmem>>, vector<1x16xf32>,
        %swap3A_346 = vector.shape_cast %swap3A_345 : vector<1x16xf32> to vector<16xf32>
        %swap3A_347 = vector.shape_cast %mul3A_342 : vector<16xf32> to vector<1x16xf32>
        tpu.vector_store %arg8[%swap3A_343, %swap3A_344], %swap3A_347 {strides = array<i32>} : memref<32x512xf32, #tpu.memory_space<vmem>>, vector<1x16xf32>,
        %get3A_348 = arith.index_cast %scan3A_97 : i32 to index
        %get3A_349 = arith.constant 336 : index
        %get3A_350 = tpu.vector_load %arg6[%get3A_348, %get3A_349] {strides = array<i32>} : memref<32x512xf32, #tpu.memory_space<vmem>>, vector<1x16xf32>,
        %get3A_351 = vector.shape_cast %get3A_350 : vector<1x16xf32> to vector<16xf32>
        %mul3A_352 = arith.constant 22.6274166 : f32
        %mul3A_353 = vector.broadcast %mul3A_352 : f32 to vector<16xf32>
        %mul3A_354 = arith.mulf %get3A_351, %mul3A_353 : vector<16xf32>
        %swap3A_355 = arith.index_cast %scan3A_97 : i32 to index
        %swap3A_356 = arith.constant 336 : index
        %swap3A_357 = tpu.vector_load %arg8[%swap3A_355, %swap3A_356] {strides = array<i32>} : memref<32x512xf32, #tpu.memory_space<vmem>>, vector<1x16xf32>,
        %swap3A_358 = vector.shape_cast %swap3A_357 : vector<1x16xf32> to vector<16xf32>
        %swap3A_359 = vector.shape_cast %mul3A_354 : vector<16xf32> to vector<1x16xf32>
        tpu.vector_store %arg8[%swap3A_355, %swap3A_356], %swap3A_359 {strides = array<i32>} : memref<32x512xf32, #tpu.memory_space<vmem>>, vector<1x16xf32>,
        %get3A_360 = arith.index_cast %scan3A_97 : i32 to index
        %get3A_361 = arith.constant 352 : index
        %get3A_362 = tpu.vector_load %arg6[%get3A_360, %get3A_361] {strides = array<i32>} : memref<32x512xf32, #tpu.memory_space<vmem>>, vector<1x16xf32>,
        %get3A_363 = vector.shape_cast %get3A_362 : vector<1x16xf32> to vector<16xf32>
        %mul3A_364 = arith.constant 22.6274166 : f32
        %mul3A_365 = vector.broadcast %mul3A_364 : f32 to vector<16xf32>
        %mul3A_366 = arith.mulf %get3A_363, %mul3A_365 : vector<16xf32>
        %swap3A_367 = arith.index_cast %scan3A_97 : i32 to index
        %swap3A_368 = arith.constant 352 : index
        %swap3A_369 = tpu.vector_load %arg8[%swap3A_367, %swap3A_368] {strides = array<i32>} : memref<32x512xf32, #tpu.memory_space<vmem>>, vector<1x16xf32>,
        %swap3A_370 = vector.shape_cast %swap3A_369 : vector<1x16xf32> to vector<16xf32>
        %swap3A_371 = vector.shape_cast %mul3A_366 : vector<16xf32> to vector<1x16xf32>
        tpu.vector_store %arg8[%swap3A_367, %swap3A_368], %swap3A_371 {strides = array<i32>} : memref<32x512xf32, #tpu.memory_space<vmem>>, vector<1x16xf32>,
        %get3A_372 = arith.index_cast %scan3A_97 : i32 to index
        %get3A_373 = arith.constant 368 : index
        %get3A_374 = tpu.vector_load %arg6[%get3A_372, %get3A_373] {strides = array<i32>} : memref<32x512xf32, #tpu.memory_space<vmem>>, vector<1x16xf32>,
        %get3A_375 = vector.shape_cast %get3A_374 : vector<1x16xf32> to vector<16xf32>
        %mul3A_376 = arith.constant 22.6274166 : f32
        %mul3A_377 = vector.broadcast %mul3A_376 : f32 to vector<16xf32>
        %mul3A_378 = arith.mulf %get3A_375, %mul3A_377 : vector<16xf32>
        %swap3A_379 = arith.index_cast %scan3A_97 : i32 to index
        %swap3A_380 = arith.constant 368 : index
        %swap3A_381 = tpu.vector_load %arg8[%swap3A_379, %swap3A_380] {strides = array<i32>} : memref<32x512xf32, #tpu.memory_space<vmem>>, vector<1x16xf32>,
        %swap3A_382 = vector.shape_cast %swap3A_381 : vector<1x16xf32> to vector<16xf32>
        %swap3A_383 = vector.shape_cast %mul3A_378 : vector<16xf32> to vector<1x16xf32>
        tpu.vector_store %arg8[%swap3A_379, %swap3A_380], %swap3A_383 {strides = array<i32>} : memref<32x512xf32, #tpu.memory_space<vmem>>, vector<1x16xf32>,
        %get3A_384 = arith.index_cast %scan3A_97 : i32 to index
        %get3A_385 = arith.constant 384 : index
        %get3A_386 = tpu.vector_load %arg6[%get3A_384, %get3A_385] {strides = array<i32>} : memref<32x512xf32, #tpu.memory_space<vmem>>, vector<1x16xf32>,
        %get3A_387 = vector.shape_cast %get3A_386 : vector<1x16xf32> to vector<16xf32>
        %mul3A_388 = arith.constant 22.6274166 : f32
        %mul3A_389 = vector.broadcast %mul3A_388 : f32 to vector<16xf32>
        %mul3A_390 = arith.mulf %get3A_387, %mul3A_389 : vector<16xf32>
        %swap3A_391 = arith.index_cast %scan3A_97 : i32 to index
        %swap3A_392 = arith.constant 384 : index
        %swap3A_393 = tpu.vector_load %arg8[%swap3A_391, %swap3A_392] {strides = array<i32>} : memref<32x512xf32, #tpu.memory_space<vmem>>, vector<1x16xf32>,
        %swap3A_394 = vector.shape_cast %swap3A_393 : vector<1x16xf32> to vector<16xf32>
        %swap3A_395 = vector.shape_cast %mul3A_390 : vector<16xf32> to vector<1x16xf32>
        tpu.vector_store %arg8[%swap3A_391, %swap3A_392], %swap3A_395 {strides = array<i32>} : memref<32x512xf32, #tpu.memory_space<vmem>>, vector<1x16xf32>,
        %get3A_396 = arith.index_cast %scan3A_97 : i32 to index
        %get3A_397 = arith.constant 400 : index
        %get3A_398 = tpu.vector_load %arg6[%get3A_396, %get3A_397] {strides = array<i32>} : memref<32x512xf32, #tpu.memory_space<vmem>>, vector<1x16xf32>,
        %get3A_399 = vector.shape_cast %get3A_398 : vector<1x16xf32> to vector<16xf32>
        %mul3A_400 = arith.constant 22.6274166 : f32
        %mul3A_401 = vector.broadcast %mul3A_400 : f32 to vector<16xf32>
        %mul3A_402 = arith.mulf %get3A_399, %mul3A_401 : vector<16xf32>
        %swap3A_403 = arith.index_cast %scan3A_97 : i32 to index
        %swap3A_404 = arith.constant 400 : index
        %swap3A_405 = tpu.vector_load %arg8[%swap3A_403, %swap3A_404] {strides = array<i32>} : memref<32x512xf32, #tpu.memory_space<vmem>>, vector<1x16xf32>,
        %swap3A_406 = vector.shape_cast %swap3A_405 : vector<1x16xf32> to vector<16xf32>
        %swap3A_407 = vector.shape_cast %mul3A_402 : vector<16xf32> to vector<1x16xf32>
        tpu.vector_store %arg8[%swap3A_403, %swap3A_404], %swap3A_407 {strides = array<i32>} : memref<32x512xf32, #tpu.memory_space<vmem>>, vector<1x16xf32>,
        %get3A_408 = arith.index_cast %scan3A_97 : i32 to index
        %get3A_409 = arith.constant 416 : index
        %get3A_410 = tpu.vector_load %arg6[%get3A_408, %get3A_409] {strides = array<i32>} : memref<32x512xf32, #tpu.memory_space<vmem>>, vector<1x16xf32>,
        %get3A_411 = vector.shape_cast %get3A_410 : vector<1x16xf32> to vector<16xf32>
        %mul3A_412 = arith.constant 22.6274166 : f32
        %mul3A_413 = vector.broadcast %mul3A_412 : f32 to vector<16xf32>
        %mul3A_414 = arith.mulf %get3A_411, %mul3A_413 : vector<16xf32>
        %swap3A_415 = arith.index_cast %scan3A_97 : i32 to index
        %swap3A_416 = arith.constant 416 : index
        %swap3A_417 = tpu.vector_load %arg8[%swap3A_415, %swap3A_416] {strides = array<i32>} : memref<32x512xf32, #tpu.memory_space<vmem>>, vector<1x16xf32>,
        %swap3A_418 = vector.shape_cast %swap3A_417 : vector<1x16xf32> to vector<16xf32>
        %swap3A_419 = vector.shape_cast %mul3A_414 : vector<16xf32> to vector<1x16xf32>
        tpu.vector_store %arg8[%swap3A_415, %swap3A_416], %swap3A_419 {strides = array<i32>} : memref<32x512xf32, #tpu.memory_space<vmem>>, vector<1x16xf32>,
        %get3A_420 = arith.index_cast %scan3A_97 : i32 to index
        %get3A_421 = arith.constant 432 : index
        %get3A_422 = tpu.vector_load %arg6[%get3A_420, %get3A_421] {strides = array<i32>} : memref<32x512xf32, #tpu.memory_space<vmem>>, vector<1x16xf32>,
        %get3A_423 = vector.shape_cast %get3A_422 : vector<1x16xf32> to vector<16xf32>
        %mul3A_424 = arith.constant 22.6274166 : f32
        %mul3A_425 = vector.broadcast %mul3A_424 : f32 to vector<16xf32>
        %mul3A_426 = arith.mulf %get3A_423, %mul3A_425 : vector<16xf32>
        %swap3A_427 = arith.index_cast %scan3A_97 : i32 to index
        %swap3A_428 = arith.constant 432 : index
        %swap3A_429 = tpu.vector_load %arg8[%swap3A_427, %swap3A_428] {strides = array<i32>} : memref<32x512xf32, #tpu.memory_space<vmem>>, vector<1x16xf32>,
        %swap3A_430 = vector.shape_cast %swap3A_429 : vector<1x16xf32> to vector<16xf32>
        %swap3A_431 = vector.shape_cast %mul3A_426 : vector<16xf32> to vector<1x16xf32>
        tpu.vector_store %arg8[%swap3A_427, %swap3A_428], %swap3A_431 {strides = array<i32>} : memref<32x512xf32, #tpu.memory_space<vmem>>, vector<1x16xf32>,
        %get3A_432 = arith.index_cast %scan3A_97 : i32 to index
        %get3A_433 = arith.constant 448 : index
        %get3A_434 = tpu.vector_load %arg6[%get3A_432, %get3A_433] {strides = array<i32>} : memref<32x512xf32, #tpu.memory_space<vmem>>, vector<1x16xf32>,
        %get3A_435 = vector.shape_cast %get3A_434 : vector<1x16xf32> to vector<16xf32>
        %mul3A_436 = arith.constant 22.6274166 : f32
        %mul3A_437 = vector.broadcast %mul3A_436 : f32 to vector<16xf32>
        %mul3A_438 = arith.mulf %get3A_435, %mul3A_437 : vector<16xf32>
        %swap3A_439 = arith.index_cast %scan3A_97 : i32 to index
        %swap3A_440 = arith.constant 448 : index
        %swap3A_441 = tpu.vector_load %arg8[%swap3A_439, %swap3A_440] {strides = array<i32>} : memref<32x512xf32, #tpu.memory_space<vmem>>, vector<1x16xf32>,
        %swap3A_442 = vector.shape_cast %swap3A_441 : vector<1x16xf32> to vector<16xf32>
        %swap3A_443 = vector.shape_cast %mul3A_438 : vector<16xf32> to vector<1x16xf32>
        tpu.vector_store %arg8[%swap3A_439, %swap3A_440], %swap3A_443 {strides = array<i32>} : memref<32x512xf32, #tpu.memory_space<vmem>>, vector<1x16xf32>,
        %get3A_444 = arith.index_cast %scan3A_97 : i32 to index
        %get3A_445 = arith.constant 464 : index
        %get3A_446 = tpu.vector_load %arg6[%get3A_444, %get3A_445] {strides = array<i32>} : memref<32x512xf32, #tpu.memory_space<vmem>>, vector<1x16xf32>,
        %get3A_447 = vector.shape_cast %get3A_446 : vector<1x16xf32> to vector<16xf32>
        %mul3A_448 = arith.constant 22.6274166 : f32
        %mul3A_449 = vector.broadcast %mul3A_448 : f32 to vector<16xf32>
        %mul3A_450 = arith.mulf %get3A_447, %mul3A_449 : vector<16xf32>
        %swap3A_451 = arith.index_cast %scan3A_97 : i32 to index
        %swap3A_452 = arith.constant 464 : index
        %swap3A_453 = tpu.vector_load %arg8[%swap3A_451, %swap3A_452] {strides = array<i32>} : memref<32x512xf32, #tpu.memory_space<vmem>>, vector<1x16xf32>,
        %swap3A_454 = vector.shape_cast %swap3A_453 : vector<1x16xf32> to vector<16xf32>
        %swap3A_455 = vector.shape_cast %mul3A_450 : vector<16xf32> to vector<1x16xf32>
        tpu.vector_store %arg8[%swap3A_451, %swap3A_452], %swap3A_455 {strides = array<i32>} : memref<32x512xf32, #tpu.memory_space<vmem>>, vector<1x16xf32>,
        %get3A_456 = arith.index_cast %scan3A_97 : i32 to index
        %get3A_457 = arith.constant 480 : index
        %get3A_458 = tpu.vector_load %arg6[%get3A_456, %get3A_457] {strides = array<i32>} : memref<32x512xf32, #tpu.memory_space<vmem>>, vector<1x16xf32>,
        %get3A_459 = vector.shape_cast %get3A_458 : vector<1x16xf32> to vector<16xf32>
        %mul3A_460 = arith.constant 22.6274166 : f32
        %mul3A_461 = vector.broadcast %mul3A_460 : f32 to vector<16xf32>
        %mul3A_462 = arith.mulf %get3A_459, %mul3A_461 : vector<16xf32>
        %swap3A_463 = arith.index_cast %scan3A_97 : i32 to index
        %swap3A_464 = arith.constant 480 : index
        %swap3A_465 = tpu.vector_load %arg8[%swap3A_463, %swap3A_464] {strides = array<i32>} : memref<32x512xf32, #tpu.memory_space<vmem>>, vector<1x16xf32>,
        %swap3A_466 = vector.shape_cast %swap3A_465 : vector<1x16xf32> to vector<16xf32>
        %swap3A_467 = vector.shape_cast %mul3A_462 : vector<16xf32> to vector<1x16xf32>
        tpu.vector_store %arg8[%swap3A_463, %swap3A_464], %swap3A_467 {strides = array<i32>} : memref<32x512xf32, #tpu.memory_space<vmem>>, vector<1x16xf32>,
        %get3A_468 = arith.index_cast %scan3A_97 : i32 to index
        %get3A_469 = arith.constant 496 : index
        %get3A_470 = tpu.vector_load %arg6[%get3A_468, %get3A_469] {strides = array<i32>} : memref<32x512xf32, #tpu.memory_space<vmem>>, vector<1x16xf32>,
        %get3A_471 = vector.shape_cast %get3A_470 : vector<1x16xf32> to vector<16xf32>
        %mul3A_472 = arith.constant 22.6274166 : f32
        %mul3A_473 = vector.broadcast %mul3A_472 : f32 to vector<16xf32>
        %mul3A_474 = arith.mulf %get3A_471, %mul3A_473 : vector<16xf32>
        %swap3A_475 = arith.index_cast %scan3A_97 : i32 to index
        %swap3A_476 = arith.constant 496 : index
        %swap3A_477 = tpu.vector_load %arg8[%swap3A_475, %swap3A_476] {strides = array<i32>} : memref<32x512xf32, #tpu.memory_space<vmem>>, vector<1x16xf32>,
        %swap3A_478 = vector.shape_cast %swap3A_477 : vector<1x16xf32> to vector<16xf32>
        %swap3A_479 = vector.shape_cast %mul3A_474 : vector<16xf32> to vector<1x16xf32>
        tpu.vector_store %arg8[%swap3A_475, %swap3A_476], %swap3A_479 {strides = array<i32>} : memref<32x512xf32, #tpu.memory_space<vmem>>, vector<1x16xf32>,
      }
      %scan3A_51 = arith.constant 32 : i32
      %mul3A_52 = arith.constant 32 : i32
      %mul3A_53 = arith.muli %add3A_36, %mul3A_52 : i32
      %add3A_54 = arith.addi %mul3A_2, %mul3A_53 : i32
      %multiple_of3A_55 = tpu.assume_multiple %add3A_54, 8 : i32
      %dma_start3A_56 = arith.constant 0 : i32
      %dma_start3A_57 = tpu.memref_slice %arg4[%multiple_of3A_55, %dma_start3A_56] : memref<204800x512xf32, #tpu.memory_space<hbm>> -> memref<32x512xf32, #tpu.memory_space<hbm>>
      %dma_start3A_58 = arith.constant 0 : i32
      %dma_start3A_59 = tpu.memref_slice %arg4[%multiple_of3A_55, %dma_start3A_58] : memref<204800x512xf32, #tpu.memory_space<hbm>> -> memref<32x512xf32, #tpu.memory_space<hbm>>
      tpu.enqueue_dma source(%arg8 : memref<32x512xf32, #tpu.memory_space<vmem>>) target(%dma_start3A_59 : memref<32x512xf32, #tpu.memory_space<hbm>>) target_semaphore(%arg12 : memref<!tpu.dma_semaphore, #tpu.memory_space<semaphore_mem>>)
      %lt3A = arith.constant 99 : i32
      %lt3A_60 = arith.cmpi slt, %scan3A_32, %lt3A : i32
      %convert_element_type3A_61 = arith.extui %lt3A_60 : i1 to i32
      %cond3A_62 = arith.constant 0 : i32
      %cond3A_63 = arith.cmpi ne, %convert_element_type3A_61, %cond3A_62 : i32
      scf.if %cond3A_63 {
        %add3A_97 = arith.constant 2 : i32
        %add3A_98 = arith.addi %add3A_36, %add3A_97 : i32
        %mul3A_99 = arith.constant 32 : i32
        %mul3A_100 = arith.muli %add3A_98, %mul3A_99 : i32
        %multiple_of3A_101 = tpu.assume_multiple %mul3A_100, 8 : i32
        %dma_start3A_102 = tpu.memref_slice %arg5[%multiple_of3A_101] : memref<6400xi32, #tpu.memory_space<vmem>> -> memref<32xi32, #tpu.memory_space<vmem>>
        %dma_start3A_103 = arith.constant 0 : i32
        %dma_start3A_104 = arith.constant 0 : i32
        %dma_start3A_105 = tpu.memref_slice %arg2[%dma_start3A_103, %dma_start3A_104] : memref<100000x512xf32, #tpu.memory_space<hbm>> -> memref<100000x512xf32, #tpu.memory_space<hbm>>
        tpu.enqueue_indirect_dma source(%dma_start3A_105 : memref<100000x512xf32, #tpu.memory_space<hbm>>) target(%arg6 : memref<32x512xf32, #tpu.memory_space<vmem>>) offsets(%dma_start3A_102 : memref<32xi32, #tpu.memory_space<vmem>>) semaphore(%arg10 : memref<!tpu.dma_semaphore, #tpu.memory_space<semaphore_mem>>)
      } else {
      }
      %add3A_64 = arith.constant 1 : i32
      %add3A_65 = arith.addi %mul3A_34, %add3A_64 : i32
      %mul3A_66 = arith.constant 32 : i32
      %mul3A_67 = arith.muli %add3A_65, %mul3A_66 : i32
      %multiple_of3A_68 = tpu.assume_multiple %mul3A_67, 8 : i32
      %dma_wait3A_69 = tpu.memref_slice %arg5[%multiple_of3A_68] : memref<6400xi32, #tpu.memory_space<vmem>> -> memref<32xi32, #tpu.memory_space<vmem>>
      %dma_wait3A_70 = arith.constant 0 : i32
      %dma_wait3A_71 = arith.constant 0 : i32
      %dma_wait3A_72 = tpu.memref_slice %arg2[%dma_wait3A_70, %dma_wait3A_71] : memref<100000x512xf32, #tpu.memory_space<hbm>> -> memref<100000x512xf32, #tpu.memory_space<hbm>>
      tpu.wait_indirect_dma semaphore(%arg11 : memref<!tpu.dma_semaphore, #tpu.memory_space<semaphore_mem>>) src(%dma_wait3A_72 : memref<100000x512xf32, #tpu.memory_space<hbm>>) dst(%arg7 : memref<32x512xf32, #tpu.memory_space<vmem>>)
      %gt3A_73 = arith.constant 0 : i32
      %gt3A_74 = arith.cmpi sgt, %scan3A_32, %gt3A_73 : i32
      %convert_element_type3A_75 = arith.extui %gt3A_74 : i1 to i32
      %cond3A_76 = arith.constant 0 : i32
      %cond3A_77 = arith.cmpi ne, %convert_element_type3A_75, %cond3A_76 : i32
      scf.if %cond3A_77 {
        %sub3A = arith.constant 2 : i32
        %sub3A_97 = arith.subi %add3A_65, %sub3A : i32
        %mul3A_98 = arith.constant 32 : i32
        %mul3A_99 = arith.muli %sub3A_97, %mul3A_98 : i32
        %add3A_100 = arith.addi %mul3A_2, %mul3A_99 : i32
        %multiple_of3A_101 = tpu.assume_multiple %add3A_100, 8 : i32
        %dma_wait3A_102 = arith.constant 0 : i32
        %dma_wait3A_103 = tpu.memref_slice %arg4[%multiple_of3A_101, %dma_wait3A_102] : memref<204800x512xf32, #tpu.memory_space<hbm>> -> memref<32x512xf32, #tpu.memory_space<hbm>>
        %dma_wait3A_104 = arith.constant 0 : i32
        %dma_wait3A_105 = tpu.memref_slice %arg4[%multiple_of3A_101, %dma_wait3A_104] : memref<204800x512xf32, #tpu.memory_space<hbm>> -> memref<32x512xf32, #tpu.memory_space<hbm>>
        tpu.wait_dma2 semaphore(%arg13 : memref<!tpu.dma_semaphore, #tpu.memory_space<semaphore_mem>>) src(%arg9 : memref<32x512xf32, #tpu.memory_space<vmem>>) dst(%dma_wait3A_105 : memref<32x512xf32, #tpu.memory_space<hbm>>)
      } else {
      }
      %scan3A_78 = arith.constant 0 : i32
      %scan3A_79 = arith.constant 0 : i32
      %scan3A_80 = arith.constant 32 : i32
      %scan3A_81 = arith.addi %scan3A_79, %scan3A_80 : i32
      %scan3A_82 = arith.constant 1 : i32
      scf.for %scan3A_97 = %scan3A_79 to %scan3A_81 step %scan3A_82  : i32 {
        %get3A = arith.index_cast %scan3A_97 : i32 to index
        %get3A_98 = arith.constant 0 : index
        %get3A_99 = tpu.vector_load %arg7[%get3A, %get3A_98] {strides = array<i32>} : memref<32x512xf32, #tpu.memory_space<vmem>>, vector<1x16xf32>,
        %get3A_100 = vector.shape_cast %get3A_99 : vector<1x16xf32> to vector<16xf32>
        %mul3A_101 = arith.constant 22.6274166 : f32
        %mul3A_102 = vector.broadcast %mul3A_101 : f32 to vector<16xf32>
        %mul3A_103 = arith.mulf %get3A_100, %mul3A_102 : vector<16xf32>
        %swap3A = arith.index_cast %scan3A_97 : i32 to index
        %swap3A_104 = arith.constant 0 : index
        %swap3A_105 = tpu.vector_load %arg9[%swap3A, %swap3A_104] {strides = array<i32>} : memref<32x512xf32, #tpu.memory_space<vmem>>, vector<1x16xf32>,
        %swap3A_106 = vector.shape_cast %swap3A_105 : vector<1x16xf32> to vector<16xf32>
        %swap3A_107 = vector.shape_cast %mul3A_103 : vector<16xf32> to vector<1x16xf32>
        tpu.vector_store %arg9[%swap3A, %swap3A_104], %swap3A_107 {strides = array<i32>} : memref<32x512xf32, #tpu.memory_space<vmem>>, vector<1x16xf32>,
        %get3A_108 = arith.index_cast %scan3A_97 : i32 to index
        %get3A_109 = arith.constant 16 : index
        %get3A_110 = tpu.vector_load %arg7[%get3A_108, %get3A_109] {strides = array<i32>} : memref<32x512xf32, #tpu.memory_space<vmem>>, vector<1x16xf32>,
        %get3A_111 = vector.shape_cast %get3A_110 : vector<1x16xf32> to vector<16xf32>
        %mul3A_112 = arith.constant 22.6274166 : f32
        %mul3A_113 = vector.broadcast %mul3A_112 : f32 to vector<16xf32>
        %mul3A_114 = arith.mulf %get3A_111, %mul3A_113 : vector<16xf32>
        %swap3A_115 = arith.index_cast %scan3A_97 : i32 to index
        %swap3A_116 = arith.constant 16 : index
        %swap3A_117 = tpu.vector_load %arg9[%swap3A_115, %swap3A_116] {strides = array<i32>} : memref<32x512xf32, #tpu.memory_space<vmem>>, vector<1x16xf32>,
        %swap3A_118 = vector.shape_cast %swap3A_117 : vector<1x16xf32> to vector<16xf32>
        %swap3A_119 = vector.shape_cast %mul3A_114 : vector<16xf32> to vector<1x16xf32>
        tpu.vector_store %arg9[%swap3A_115, %swap3A_116], %swap3A_119 {strides = array<i32>} : memref<32x512xf32, #tpu.memory_space<vmem>>, vector<1x16xf32>,
        %get3A_120 = arith.index_cast %scan3A_97 : i32 to index
        %get3A_121 = arith.constant 32 : index
        %get3A_122 = tpu.vector_load %arg7[%get3A_120, %get3A_121] {strides = array<i32>} : memref<32x512xf32, #tpu.memory_space<vmem>>, vector<1x16xf32>,
        %get3A_123 = vector.shape_cast %get3A_122 : vector<1x16xf32> to vector<16xf32>
        %mul3A_124 = arith.constant 22.6274166 : f32
        %mul3A_125 = vector.broadcast %mul3A_124 : f32 to vector<16xf32>
        %mul3A_126 = arith.mulf %get3A_123, %mul3A_125 : vector<16xf32>
        %swap3A_127 = arith.index_cast %scan3A_97 : i32 to index
        %swap3A_128 = arith.constant 32 : index
        %swap3A_129 = tpu.vector_load %arg9[%swap3A_127, %swap3A_128] {strides = array<i32>} : memref<32x512xf32, #tpu.memory_space<vmem>>, vector<1x16xf32>,
        %swap3A_130 = vector.shape_cast %swap3A_129 : vector<1x16xf32> to vector<16xf32>
        %swap3A_131 = vector.shape_cast %mul3A_126 : vector<16xf32> to vector<1x16xf32>
        tpu.vector_store %arg9[%swap3A_127, %swap3A_128], %swap3A_131 {strides = array<i32>} : memref<32x512xf32, #tpu.memory_space<vmem>>, vector<1x16xf32>,
        %get3A_132 = arith.index_cast %scan3A_97 : i32 to index
        %get3A_133 = arith.constant 48 : index
        %get3A_134 = tpu.vector_load %arg7[%get3A_132, %get3A_133] {strides = array<i32>} : memref<32x512xf32, #tpu.memory_space<vmem>>, vector<1x16xf32>,
        %get3A_135 = vector.shape_cast %get3A_134 : vector<1x16xf32> to vector<16xf32>
        %mul3A_136 = arith.constant 22.6274166 : f32
        %mul3A_137 = vector.broadcast %mul3A_136 : f32 to vector<16xf32>
        %mul3A_138 = arith.mulf %get3A_135, %mul3A_137 : vector<16xf32>
        %swap3A_139 = arith.index_cast %scan3A_97 : i32 to index
        %swap3A_140 = arith.constant 48 : index
        %swap3A_141 = tpu.vector_load %arg9[%swap3A_139, %swap3A_140] {strides = array<i32>} : memref<32x512xf32, #tpu.memory_space<vmem>>, vector<1x16xf32>,
        %swap3A_142 = vector.shape_cast %swap3A_141 : vector<1x16xf32> to vector<16xf32>
        %swap3A_143 = vector.shape_cast %mul3A_138 : vector<16xf32> to vector<1x16xf32>
        tpu.vector_store %arg9[%swap3A_139, %swap3A_140], %swap3A_143 {strides = array<i32>} : memref<32x512xf32, #tpu.memory_space<vmem>>, vector<1x16xf32>,
        %get3A_144 = arith.index_cast %scan3A_97 : i32 to index
        %get3A_145 = arith.constant 64 : index
        %get3A_146 = tpu.vector_load %arg7[%get3A_144, %get3A_145] {strides = array<i32>} : memref<32x512xf32, #tpu.memory_space<vmem>>, vector<1x16xf32>,
        %get3A_147 = vector.shape_cast %get3A_146 : vector<1x16xf32> to vector<16xf32>
        %mul3A_148 = arith.constant 22.6274166 : f32
        %mul3A_149 = vector.broadcast %mul3A_148 : f32 to vector<16xf32>
        %mul3A_150 = arith.mulf %get3A_147, %mul3A_149 : vector<16xf32>
        %swap3A_151 = arith.index_cast %scan3A_97 : i32 to index
        %swap3A_152 = arith.constant 64 : index
        %swap3A_153 = tpu.vector_load %arg9[%swap3A_151, %swap3A_152] {strides = array<i32>} : memref<32x512xf32, #tpu.memory_space<vmem>>, vector<1x16xf32>,
        %swap3A_154 = vector.shape_cast %swap3A_153 : vector<1x16xf32> to vector<16xf32>
        %swap3A_155 = vector.shape_cast %mul3A_150 : vector<16xf32> to vector<1x16xf32>
        tpu.vector_store %arg9[%swap3A_151, %swap3A_152], %swap3A_155 {strides = array<i32>} : memref<32x512xf32, #tpu.memory_space<vmem>>, vector<1x16xf32>,
        %get3A_156 = arith.index_cast %scan3A_97 : i32 to index
        %get3A_157 = arith.constant 80 : index
        %get3A_158 = tpu.vector_load %arg7[%get3A_156, %get3A_157] {strides = array<i32>} : memref<32x512xf32, #tpu.memory_space<vmem>>, vector<1x16xf32>,
        %get3A_159 = vector.shape_cast %get3A_158 : vector<1x16xf32> to vector<16xf32>
        %mul3A_160 = arith.constant 22.6274166 : f32
        %mul3A_161 = vector.broadcast %mul3A_160 : f32 to vector<16xf32>
        %mul3A_162 = arith.mulf %get3A_159, %mul3A_161 : vector<16xf32>
        %swap3A_163 = arith.index_cast %scan3A_97 : i32 to index
        %swap3A_164 = arith.constant 80 : index
        %swap3A_165 = tpu.vector_load %arg9[%swap3A_163, %swap3A_164] {strides = array<i32>} : memref<32x512xf32, #tpu.memory_space<vmem>>, vector<1x16xf32>,
        %swap3A_166 = vector.shape_cast %swap3A_165 : vector<1x16xf32> to vector<16xf32>
        %swap3A_167 = vector.shape_cast %mul3A_162 : vector<16xf32> to vector<1x16xf32>
        tpu.vector_store %arg9[%swap3A_163, %swap3A_164], %swap3A_167 {strides = array<i32>} : memref<32x512xf32, #tpu.memory_space<vmem>>, vector<1x16xf32>,
        %get3A_168 = arith.index_cast %scan3A_97 : i32 to index
        %get3A_169 = arith.constant 96 : index
        %get3A_170 = tpu.vector_load %arg7[%get3A_168, %get3A_169] {strides = array<i32>} : memref<32x512xf32, #tpu.memory_space<vmem>>, vector<1x16xf32>,
        %get3A_171 = vector.shape_cast %get3A_170 : vector<1x16xf32> to vector<16xf32>
        %mul3A_172 = arith.constant 22.6274166 : f32
        %mul3A_173 = vector.broadcast %mul3A_172 : f32 to vector<16xf32>
        %mul3A_174 = arith.mulf %get3A_171, %mul3A_173 : vector<16xf32>
        %swap3A_175 = arith.index_cast %scan3A_97 : i32 to index
        %swap3A_176 = arith.constant 96 : index
        %swap3A_177 = tpu.vector_load %arg9[%swap3A_175, %swap3A_176] {strides = array<i32>} : memref<32x512xf32, #tpu.memory_space<vmem>>, vector<1x16xf32>,
        %swap3A_178 = vector.shape_cast %swap3A_177 : vector<1x16xf32> to vector<16xf32>
        %swap3A_179 = vector.shape_cast %mul3A_174 : vector<16xf32> to vector<1x16xf32>
        tpu.vector_store %arg9[%swap3A_175, %swap3A_176], %swap3A_179 {strides = array<i32>} : memref<32x512xf32, #tpu.memory_space<vmem>>, vector<1x16xf32>,
        %get3A_180 = arith.index_cast %scan3A_97 : i32 to index
        %get3A_181 = arith.constant 112 : index
        %get3A_182 = tpu.vector_load %arg7[%get3A_180, %get3A_181] {strides = array<i32>} : memref<32x512xf32, #tpu.memory_space<vmem>>, vector<1x16xf32>,
        %get3A_183 = vector.shape_cast %get3A_182 : vector<1x16xf32> to vector<16xf32>
        %mul3A_184 = arith.constant 22.6274166 : f32
        %mul3A_185 = vector.broadcast %mul3A_184 : f32 to vector<16xf32>
        %mul3A_186 = arith.mulf %get3A_183, %mul3A_185 : vector<16xf32>
        %swap3A_187 = arith.index_cast %scan3A_97 : i32 to index
        %swap3A_188 = arith.constant 112 : index
        %swap3A_189 = tpu.vector_load %arg9[%swap3A_187, %swap3A_188] {strides = array<i32>} : memref<32x512xf32, #tpu.memory_space<vmem>>, vector<1x16xf32>,
        %swap3A_190 = vector.shape_cast %swap3A_189 : vector<1x16xf32> to vector<16xf32>
        %swap3A_191 = vector.shape_cast %mul3A_186 : vector<16xf32> to vector<1x16xf32>
        tpu.vector_store %arg9[%swap3A_187, %swap3A_188], %swap3A_191 {strides = array<i32>} : memref<32x512xf32, #tpu.memory_space<vmem>>, vector<1x16xf32>,
        %get3A_192 = arith.index_cast %scan3A_97 : i32 to index
        %get3A_193 = arith.constant 128 : index
        %get3A_194 = tpu.vector_load %arg7[%get3A_192, %get3A_193] {strides = array<i32>} : memref<32x512xf32, #tpu.memory_space<vmem>>, vector<1x16xf32>,
        %get3A_195 = vector.shape_cast %get3A_194 : vector<1x16xf32> to vector<16xf32>
        %mul3A_196 = arith.constant 22.6274166 : f32
        %mul3A_197 = vector.broadcast %mul3A_196 : f32 to vector<16xf32>
        %mul3A_198 = arith.mulf %get3A_195, %mul3A_197 : vector<16xf32>
        %swap3A_199 = arith.index_cast %scan3A_97 : i32 to index
        %swap3A_200 = arith.constant 128 : index
        %swap3A_201 = tpu.vector_load %arg9[%swap3A_199, %swap3A_200] {strides = array<i32>} : memref<32x512xf32, #tpu.memory_space<vmem>>, vector<1x16xf32>,
        %swap3A_202 = vector.shape_cast %swap3A_201 : vector<1x16xf32> to vector<16xf32>
        %swap3A_203 = vector.shape_cast %mul3A_198 : vector<16xf32> to vector<1x16xf32>
        tpu.vector_store %arg9[%swap3A_199, %swap3A_200], %swap3A_203 {strides = array<i32>} : memref<32x512xf32, #tpu.memory_space<vmem>>, vector<1x16xf32>,
        %get3A_204 = arith.index_cast %scan3A_97 : i32 to index
        %get3A_205 = arith.constant 144 : index
        %get3A_206 = tpu.vector_load %arg7[%get3A_204, %get3A_205] {strides = array<i32>} : memref<32x512xf32, #tpu.memory_space<vmem>>, vector<1x16xf32>,
        %get3A_207 = vector.shape_cast %get3A_206 : vector<1x16xf32> to vector<16xf32>
        %mul3A_208 = arith.constant 22.6274166 : f32
        %mul3A_209 = vector.broadcast %mul3A_208 : f32 to vector<16xf32>
        %mul3A_210 = arith.mulf %get3A_207, %mul3A_209 : vector<16xf32>
        %swap3A_211 = arith.index_cast %scan3A_97 : i32 to index
        %swap3A_212 = arith.constant 144 : index
        %swap3A_213 = tpu.vector_load %arg9[%swap3A_211, %swap3A_212] {strides = array<i32>} : memref<32x512xf32, #tpu.memory_space<vmem>>, vector<1x16xf32>,
        %swap3A_214 = vector.shape_cast %swap3A_213 : vector<1x16xf32> to vector<16xf32>
        %swap3A_215 = vector.shape_cast %mul3A_210 : vector<16xf32> to vector<1x16xf32>
        tpu.vector_store %arg9[%swap3A_211, %swap3A_212], %swap3A_215 {strides = array<i32>} : memref<32x512xf32, #tpu.memory_space<vmem>>, vector<1x16xf32>,
        %get3A_216 = arith.index_cast %scan3A_97 : i32 to index
        %get3A_217 = arith.constant 160 : index
        %get3A_218 = tpu.vector_load %arg7[%get3A_216, %get3A_217] {strides = array<i32>} : memref<32x512xf32, #tpu.memory_space<vmem>>, vector<1x16xf32>,
        %get3A_219 = vector.shape_cast %get3A_218 : vector<1x16xf32> to vector<16xf32>
        %mul3A_220 = arith.constant 22.6274166 : f32
        %mul3A_221 = vector.broadcast %mul3A_220 : f32 to vector<16xf32>
        %mul3A_222 = arith.mulf %get3A_219, %mul3A_221 : vector<16xf32>
        %swap3A_223 = arith.index_cast %scan3A_97 : i32 to index
        %swap3A_224 = arith.constant 160 : index
        %swap3A_225 = tpu.vector_load %arg9[%swap3A_223, %swap3A_224] {strides = array<i32>} : memref<32x512xf32, #tpu.memory_space<vmem>>, vector<1x16xf32>,
        %swap3A_226 = vector.shape_cast %swap3A_225 : vector<1x16xf32> to vector<16xf32>
        %swap3A_227 = vector.shape_cast %mul3A_222 : vector<16xf32> to vector<1x16xf32>
        tpu.vector_store %arg9[%swap3A_223, %swap3A_224], %swap3A_227 {strides = array<i32>} : memref<32x512xf32, #tpu.memory_space<vmem>>, vector<1x16xf32>,
        %get3A_228 = arith.index_cast %scan3A_97 : i32 to index
        %get3A_229 = arith.constant 176 : index
        %get3A_230 = tpu.vector_load %arg7[%get3A_228, %get3A_229] {strides = array<i32>} : memref<32x512xf32, #tpu.memory_space<vmem>>, vector<1x16xf32>,
        %get3A_231 = vector.shape_cast %get3A_230 : vector<1x16xf32> to vector<16xf32>
        %mul3A_232 = arith.constant 22.6274166 : f32
        %mul3A_233 = vector.broadcast %mul3A_232 : f32 to vector<16xf32>
        %mul3A_234 = arith.mulf %get3A_231, %mul3A_233 : vector<16xf32>
        %swap3A_235 = arith.index_cast %scan3A_97 : i32 to index
        %swap3A_236 = arith.constant 176 : index
        %swap3A_237 = tpu.vector_load %arg9[%swap3A_235, %swap3A_236] {strides = array<i32>} : memref<32x512xf32, #tpu.memory_space<vmem>>, vector<1x16xf32>,
        %swap3A_238 = vector.shape_cast %swap3A_237 : vector<1x16xf32> to vector<16xf32>
        %swap3A_239 = vector.shape_cast %mul3A_234 : vector<16xf32> to vector<1x16xf32>
        tpu.vector_store %arg9[%swap3A_235, %swap3A_236], %swap3A_239 {strides = array<i32>} : memref<32x512xf32, #tpu.memory_space<vmem>>, vector<1x16xf32>,
        %get3A_240 = arith.index_cast %scan3A_97 : i32 to index
        %get3A_241 = arith.constant 192 : index
        %get3A_242 = tpu.vector_load %arg7[%get3A_240, %get3A_241] {strides = array<i32>} : memref<32x512xf32, #tpu.memory_space<vmem>>, vector<1x16xf32>,
        %get3A_243 = vector.shape_cast %get3A_242 : vector<1x16xf32> to vector<16xf32>
        %mul3A_244 = arith.constant 22.6274166 : f32
        %mul3A_245 = vector.broadcast %mul3A_244 : f32 to vector<16xf32>
        %mul3A_246 = arith.mulf %get3A_243, %mul3A_245 : vector<16xf32>
        %swap3A_247 = arith.index_cast %scan3A_97 : i32 to index
        %swap3A_248 = arith.constant 192 : index
        %swap3A_249 = tpu.vector_load %arg9[%swap3A_247, %swap3A_248] {strides = array<i32>} : memref<32x512xf32, #tpu.memory_space<vmem>>, vector<1x16xf32>,
        %swap3A_250 = vector.shape_cast %swap3A_249 : vector<1x16xf32> to vector<16xf32>
        %swap3A_251 = vector.shape_cast %mul3A_246 : vector<16xf32> to vector<1x16xf32>
        tpu.vector_store %arg9[%swap3A_247, %swap3A_248], %swap3A_251 {strides = array<i32>} : memref<32x512xf32, #tpu.memory_space<vmem>>, vector<1x16xf32>,
        %get3A_252 = arith.index_cast %scan3A_97 : i32 to index
        %get3A_253 = arith.constant 208 : index
        %get3A_254 = tpu.vector_load %arg7[%get3A_252, %get3A_253] {strides = array<i32>} : memref<32x512xf32, #tpu.memory_space<vmem>>, vector<1x16xf32>,
        %get3A_255 = vector.shape_cast %get3A_254 : vector<1x16xf32> to vector<16xf32>
        %mul3A_256 = arith.constant 22.6274166 : f32
        %mul3A_257 = vector.broadcast %mul3A_256 : f32 to vector<16xf32>
        %mul3A_258 = arith.mulf %get3A_255, %mul3A_257 : vector<16xf32>
        %swap3A_259 = arith.index_cast %scan3A_97 : i32 to index
        %swap3A_260 = arith.constant 208 : index
        %swap3A_261 = tpu.vector_load %arg9[%swap3A_259, %swap3A_260] {strides = array<i32>} : memref<32x512xf32, #tpu.memory_space<vmem>>, vector<1x16xf32>,
        %swap3A_262 = vector.shape_cast %swap3A_261 : vector<1x16xf32> to vector<16xf32>
        %swap3A_263 = vector.shape_cast %mul3A_258 : vector<16xf32> to vector<1x16xf32>
        tpu.vector_store %arg9[%swap3A_259, %swap3A_260], %swap3A_263 {strides = array<i32>} : memref<32x512xf32, #tpu.memory_space<vmem>>, vector<1x16xf32>,
        %get3A_264 = arith.index_cast %scan3A_97 : i32 to index
        %get3A_265 = arith.constant 224 : index
        %get3A_266 = tpu.vector_load %arg7[%get3A_264, %get3A_265] {strides = array<i32>} : memref<32x512xf32, #tpu.memory_space<vmem>>, vector<1x16xf32>,
        %get3A_267 = vector.shape_cast %get3A_266 : vector<1x16xf32> to vector<16xf32>
        %mul3A_268 = arith.constant 22.6274166 : f32
        %mul3A_269 = vector.broadcast %mul3A_268 : f32 to vector<16xf32>
        %mul3A_270 = arith.mulf %get3A_267, %mul3A_269 : vector<16xf32>
        %swap3A_271 = arith.index_cast %scan3A_97 : i32 to index
        %swap3A_272 = arith.constant 224 : index
        %swap3A_273 = tpu.vector_load %arg9[%swap3A_271, %swap3A_272] {strides = array<i32>} : memref<32x512xf32, #tpu.memory_space<vmem>>, vector<1x16xf32>,
        %swap3A_274 = vector.shape_cast %swap3A_273 : vector<1x16xf32> to vector<16xf32>
        %swap3A_275 = vector.shape_cast %mul3A_270 : vector<16xf32> to vector<1x16xf32>
        tpu.vector_store %arg9[%swap3A_271, %swap3A_272], %swap3A_275 {strides = array<i32>} : memref<32x512xf32, #tpu.memory_space<vmem>>, vector<1x16xf32>,
        %get3A_276 = arith.index_cast %scan3A_97 : i32 to index
        %get3A_277 = arith.constant 240 : index
        %get3A_278 = tpu.vector_load %arg7[%get3A_276, %get3A_277] {strides = array<i32>} : memref<32x512xf32, #tpu.memory_space<vmem>>, vector<1x16xf32>,
        %get3A_279 = vector.shape_cast %get3A_278 : vector<1x16xf32> to vector<16xf32>
        %mul3A_280 = arith.constant 22.6274166 : f32
        %mul3A_281 = vector.broadcast %mul3A_280 : f32 to vector<16xf32>
        %mul3A_282 = arith.mulf %get3A_279, %mul3A_281 : vector<16xf32>
        %swap3A_283 = arith.index_cast %scan3A_97 : i32 to index
        %swap3A_284 = arith.constant 240 : index
        %swap3A_285 = tpu.vector_load %arg9[%swap3A_283, %swap3A_284] {strides = array<i32>} : memref<32x512xf32, #tpu.memory_space<vmem>>, vector<1x16xf32>,
        %swap3A_286 = vector.shape_cast %swap3A_285 : vector<1x16xf32> to vector<16xf32>
        %swap3A_287 = vector.shape_cast %mul3A_282 : vector<16xf32> to vector<1x16xf32>
        tpu.vector_store %arg9[%swap3A_283, %swap3A_284], %swap3A_287 {strides = array<i32>} : memref<32x512xf32, #tpu.memory_space<vmem>>, vector<1x16xf32>,
        %get3A_288 = arith.index_cast %scan3A_97 : i32 to index
        %get3A_289 = arith.constant 256 : index
        %get3A_290 = tpu.vector_load %arg7[%get3A_288, %get3A_289] {strides = array<i32>} : memref<32x512xf32, #tpu.memory_space<vmem>>, vector<1x16xf32>,
        %get3A_291 = vector.shape_cast %get3A_290 : vector<1x16xf32> to vector<16xf32>
        %mul3A_292 = arith.constant 22.6274166 : f32
        %mul3A_293 = vector.broadcast %mul3A_292 : f32 to vector<16xf32>
        %mul3A_294 = arith.mulf %get3A_291, %mul3A_293 : vector<16xf32>
        %swap3A_295 = arith.index_cast %scan3A_97 : i32 to index
        %swap3A_296 = arith.constant 256 : index
        %swap3A_297 = tpu.vector_load %arg9[%swap3A_295, %swap3A_296] {strides = array<i32>} : memref<32x512xf32, #tpu.memory_space<vmem>>, vector<1x16xf32>,
        %swap3A_298 = vector.shape_cast %swap3A_297 : vector<1x16xf32> to vector<16xf32>
        %swap3A_299 = vector.shape_cast %mul3A_294 : vector<16xf32> to vector<1x16xf32>
        tpu.vector_store %arg9[%swap3A_295, %swap3A_296], %swap3A_299 {strides = array<i32>} : memref<32x512xf32, #tpu.memory_space<vmem>>, vector<1x16xf32>,
        %get3A_300 = arith.index_cast %scan3A_97 : i32 to index
        %get3A_301 = arith.constant 272 : index
        %get3A_302 = tpu.vector_load %arg7[%get3A_300, %get3A_301] {strides = array<i32>} : memref<32x512xf32, #tpu.memory_space<vmem>>, vector<1x16xf32>,
        %get3A_303 = vector.shape_cast %get3A_302 : vector<1x16xf32> to vector<16xf32>
        %mul3A_304 = arith.constant 22.6274166 : f32
        %mul3A_305 = vector.broadcast %mul3A_304 : f32 to vector<16xf32>
        %mul3A_306 = arith.mulf %get3A_303, %mul3A_305 : vector<16xf32>
        %swap3A_307 = arith.index_cast %scan3A_97 : i32 to index
        %swap3A_308 = arith.constant 272 : index
        %swap3A_309 = tpu.vector_load %arg9[%swap3A_307, %swap3A_308] {strides = array<i32>} : memref<32x512xf32, #tpu.memory_space<vmem>>, vector<1x16xf32>,
        %swap3A_310 = vector.shape_cast %swap3A_309 : vector<1x16xf32> to vector<16xf32>
        %swap3A_311 = vector.shape_cast %mul3A_306 : vector<16xf32> to vector<1x16xf32>
        tpu.vector_store %arg9[%swap3A_307, %swap3A_308], %swap3A_311 {strides = array<i32>} : memref<32x512xf32, #tpu.memory_space<vmem>>, vector<1x16xf32>,
        %get3A_312 = arith.index_cast %scan3A_97 : i32 to index
        %get3A_313 = arith.constant 288 : index
        %get3A_314 = tpu.vector_load %arg7[%get3A_312, %get3A_313] {strides = array<i32>} : memref<32x512xf32, #tpu.memory_space<vmem>>, vector<1x16xf32>,
        %get3A_315 = vector.shape_cast %get3A_314 : vector<1x16xf32> to vector<16xf32>
        %mul3A_316 = arith.constant 22.6274166 : f32
        %mul3A_317 = vector.broadcast %mul3A_316 : f32 to vector<16xf32>
        %mul3A_318 = arith.mulf %get3A_315, %mul3A_317 : vector<16xf32>
        %swap3A_319 = arith.index_cast %scan3A_97 : i32 to index
        %swap3A_320 = arith.constant 288 : index
        %swap3A_321 = tpu.vector_load %arg9[%swap3A_319, %swap3A_320] {strides = array<i32>} : memref<32x512xf32, #tpu.memory_space<vmem>>, vector<1x16xf32>,
        %swap3A_322 = vector.shape_cast %swap3A_321 : vector<1x16xf32> to vector<16xf32>
        %swap3A_323 = vector.shape_cast %mul3A_318 : vector<16xf32> to vector<1x16xf32>
        tpu.vector_store %arg9[%swap3A_319, %swap3A_320], %swap3A_323 {strides = array<i32>} : memref<32x512xf32, #tpu.memory_space<vmem>>, vector<1x16xf32>,
        %get3A_324 = arith.index_cast %scan3A_97 : i32 to index
        %get3A_325 = arith.constant 304 : index
        %get3A_326 = tpu.vector_load %arg7[%get3A_324, %get3A_325] {strides = array<i32>} : memref<32x512xf32, #tpu.memory_space<vmem>>, vector<1x16xf32>,
        %get3A_327 = vector.shape_cast %get3A_326 : vector<1x16xf32> to vector<16xf32>
        %mul3A_328 = arith.constant 22.6274166 : f32
        %mul3A_329 = vector.broadcast %mul3A_328 : f32 to vector<16xf32>
        %mul3A_330 = arith.mulf %get3A_327, %mul3A_329 : vector<16xf32>
        %swap3A_331 = arith.index_cast %scan3A_97 : i32 to index
        %swap3A_332 = arith.constant 304 : index
        %swap3A_333 = tpu.vector_load %arg9[%swap3A_331, %swap3A_332] {strides = array<i32>} : memref<32x512xf32, #tpu.memory_space<vmem>>, vector<1x16xf32>,
        %swap3A_334 = vector.shape_cast %swap3A_333 : vector<1x16xf32> to vector<16xf32>
        %swap3A_335 = vector.shape_cast %mul3A_330 : vector<16xf32> to vector<1x16xf32>
        tpu.vector_store %arg9[%swap3A_331, %swap3A_332], %swap3A_335 {strides = array<i32>} : memref<32x512xf32, #tpu.memory_space<vmem>>, vector<1x16xf32>,
        %get3A_336 = arith.index_cast %scan3A_97 : i32 to index
        %get3A_337 = arith.constant 320 : index
        %get3A_338 = tpu.vector_load %arg7[%get3A_336, %get3A_337] {strides = array<i32>} : memref<32x512xf32, #tpu.memory_space<vmem>>, vector<1x16xf32>,
        %get3A_339 = vector.shape_cast %get3A_338 : vector<1x16xf32> to vector<16xf32>
        %mul3A_340 = arith.constant 22.6274166 : f32
        %mul3A_341 = vector.broadcast %mul3A_340 : f32 to vector<16xf32>
        %mul3A_342 = arith.mulf %get3A_339, %mul3A_341 : vector<16xf32>
        %swap3A_343 = arith.index_cast %scan3A_97 : i32 to index
        %swap3A_344 = arith.constant 320 : index
        %swap3A_345 = tpu.vector_load %arg9[%swap3A_343, %swap3A_344] {strides = array<i32>} : memref<32x512xf32, #tpu.memory_space<vmem>>, vector<1x16xf32>,
        %swap3A_346 = vector.shape_cast %swap3A_345 : vector<1x16xf32> to vector<16xf32>
        %swap3A_347 = vector.shape_cast %mul3A_342 : vector<16xf32> to vector<1x16xf32>
        tpu.vector_store %arg9[%swap3A_343, %swap3A_344], %swap3A_347 {strides = array<i32>} : memref<32x512xf32, #tpu.memory_space<vmem>>, vector<1x16xf32>,
        %get3A_348 = arith.index_cast %scan3A_97 : i32 to index
        %get3A_349 = arith.constant 336 : index
        %get3A_350 = tpu.vector_load %arg7[%get3A_348, %get3A_349] {strides = array<i32>} : memref<32x512xf32, #tpu.memory_space<vmem>>, vector<1x16xf32>,
        %get3A_351 = vector.shape_cast %get3A_350 : vector<1x16xf32> to vector<16xf32>
        %mul3A_352 = arith.constant 22.6274166 : f32
        %mul3A_353 = vector.broadcast %mul3A_352 : f32 to vector<16xf32>
        %mul3A_354 = arith.mulf %get3A_351, %mul3A_353 : vector<16xf32>
        %swap3A_355 = arith.index_cast %scan3A_97 : i32 to index
        %swap3A_356 = arith.constant 336 : index
        %swap3A_357 = tpu.vector_load %arg9[%swap3A_355, %swap3A_356] {strides = array<i32>} : memref<32x512xf32, #tpu.memory_space<vmem>>, vector<1x16xf32>,
        %swap3A_358 = vector.shape_cast %swap3A_357 : vector<1x16xf32> to vector<16xf32>
        %swap3A_359 = vector.shape_cast %mul3A_354 : vector<16xf32> to vector<1x16xf32>
        tpu.vector_store %arg9[%swap3A_355, %swap3A_356], %swap3A_359 {strides = array<i32>} : memref<32x512xf32, #tpu.memory_space<vmem>>, vector<1x16xf32>,
        %get3A_360 = arith.index_cast %scan3A_97 : i32 to index
        %get3A_361 = arith.constant 352 : index
        %get3A_362 = tpu.vector_load %arg7[%get3A_360, %get3A_361] {strides = array<i32>} : memref<32x512xf32, #tpu.memory_space<vmem>>, vector<1x16xf32>,
        %get3A_363 = vector.shape_cast %get3A_362 : vector<1x16xf32> to vector<16xf32>
        %mul3A_364 = arith.constant 22.6274166 : f32
        %mul3A_365 = vector.broadcast %mul3A_364 : f32 to vector<16xf32>
        %mul3A_366 = arith.mulf %get3A_363, %mul3A_365 : vector<16xf32>
        %swap3A_367 = arith.index_cast %scan3A_97 : i32 to index
        %swap3A_368 = arith.constant 352 : index
        %swap3A_369 = tpu.vector_load %arg9[%swap3A_367, %swap3A_368] {strides = array<i32>} : memref<32x512xf32, #tpu.memory_space<vmem>>, vector<1x16xf32>,
        %swap3A_370 = vector.shape_cast %swap3A_369 : vector<1x16xf32> to vector<16xf32>
        %swap3A_371 = vector.shape_cast %mul3A_366 : vector<16xf32> to vector<1x16xf32>
        tpu.vector_store %arg9[%swap3A_367, %swap3A_368], %swap3A_371 {strides = array<i32>} : memref<32x512xf32, #tpu.memory_space<vmem>>, vector<1x16xf32>,
        %get3A_372 = arith.index_cast %scan3A_97 : i32 to index
        %get3A_373 = arith.constant 368 : index
        %get3A_374 = tpu.vector_load %arg7[%get3A_372, %get3A_373] {strides = array<i32>} : memref<32x512xf32, #tpu.memory_space<vmem>>, vector<1x16xf32>,
        %get3A_375 = vector.shape_cast %get3A_374 : vector<1x16xf32> to vector<16xf32>
        %mul3A_376 = arith.constant 22.6274166 : f32
        %mul3A_377 = vector.broadcast %mul3A_376 : f32 to vector<16xf32>
        %mul3A_378 = arith.mulf %get3A_375, %mul3A_377 : vector<16xf32>
        %swap3A_379 = arith.index_cast %scan3A_97 : i32 to index
        %swap3A_380 = arith.constant 368 : index
        %swap3A_381 = tpu.vector_load %arg9[%swap3A_379, %swap3A_380] {strides = array<i32>} : memref<32x512xf32, #tpu.memory_space<vmem>>, vector<1x16xf32>,
        %swap3A_382 = vector.shape_cast %swap3A_381 : vector<1x16xf32> to vector<16xf32>
        %swap3A_383 = vector.shape_cast %mul3A_378 : vector<16xf32> to vector<1x16xf32>
        tpu.vector_store %arg9[%swap3A_379, %swap3A_380], %swap3A_383 {strides = array<i32>} : memref<32x512xf32, #tpu.memory_space<vmem>>, vector<1x16xf32>,
        %get3A_384 = arith.index_cast %scan3A_97 : i32 to index
        %get3A_385 = arith.constant 384 : index
        %get3A_386 = tpu.vector_load %arg7[%get3A_384, %get3A_385] {strides = array<i32>} : memref<32x512xf32, #tpu.memory_space<vmem>>, vector<1x16xf32>,
        %get3A_387 = vector.shape_cast %get3A_386 : vector<1x16xf32> to vector<16xf32>
        %mul3A_388 = arith.constant 22.6274166 : f32
        %mul3A_389 = vector.broadcast %mul3A_388 : f32 to vector<16xf32>
        %mul3A_390 = arith.mulf %get3A_387, %mul3A_389 : vector<16xf32>
        %swap3A_391 = arith.index_cast %scan3A_97 : i32 to index
        %swap3A_392 = arith.constant 384 : index
        %swap3A_393 = tpu.vector_load %arg9[%swap3A_391, %swap3A_392] {strides = array<i32>} : memref<32x512xf32, #tpu.memory_space<vmem>>, vector<1x16xf32>,
        %swap3A_394 = vector.shape_cast %swap3A_393 : vector<1x16xf32> to vector<16xf32>
        %swap3A_395 = vector.shape_cast %mul3A_390 : vector<16xf32> to vector<1x16xf32>
        tpu.vector_store %arg9[%swap3A_391, %swap3A_392], %swap3A_395 {strides = array<i32>} : memref<32x512xf32, #tpu.memory_space<vmem>>, vector<1x16xf32>,
        %get3A_396 = arith.index_cast %scan3A_97 : i32 to index
        %get3A_397 = arith.constant 400 : index
        %get3A_398 = tpu.vector_load %arg7[%get3A_396, %get3A_397] {strides = array<i32>} : memref<32x512xf32, #tpu.memory_space<vmem>>, vector<1x16xf32>,
        %get3A_399 = vector.shape_cast %get3A_398 : vector<1x16xf32> to vector<16xf32>
        %mul3A_400 = arith.constant 22.6274166 : f32
        %mul3A_401 = vector.broadcast %mul3A_400 : f32 to vector<16xf32>
        %mul3A_402 = arith.mulf %get3A_399, %mul3A_401 : vector<16xf32>
        %swap3A_403 = arith.index_cast %scan3A_97 : i32 to index
        %swap3A_404 = arith.constant 400 : index
        %swap3A_405 = tpu.vector_load %arg9[%swap3A_403, %swap3A_404] {strides = array<i32>} : memref<32x512xf32, #tpu.memory_space<vmem>>, vector<1x16xf32>,
        %swap3A_406 = vector.shape_cast %swap3A_405 : vector<1x16xf32> to vector<16xf32>
        %swap3A_407 = vector.shape_cast %mul3A_402 : vector<16xf32> to vector<1x16xf32>
        tpu.vector_store %arg9[%swap3A_403, %swap3A_404], %swap3A_407 {strides = array<i32>} : memref<32x512xf32, #tpu.memory_space<vmem>>, vector<1x16xf32>,
        %get3A_408 = arith.index_cast %scan3A_97 : i32 to index
        %get3A_409 = arith.constant 416 : index
        %get3A_410 = tpu.vector_load %arg7[%get3A_408, %get3A_409] {strides = array<i32>} : memref<32x512xf32, #tpu.memory_space<vmem>>, vector<1x16xf32>,
        %get3A_411 = vector.shape_cast %get3A_410 : vector<1x16xf32> to vector<16xf32>
        %mul3A_412 = arith.constant 22.6274166 : f32
        %mul3A_413 = vector.broadcast %mul3A_412 : f32 to vector<16xf32>
        %mul3A_414 = arith.mulf %get3A_411, %mul3A_413 : vector<16xf32>
        %swap3A_415 = arith.index_cast %scan3A_97 : i32 to index
        %swap3A_416 = arith.constant 416 : index
        %swap3A_417 = tpu.vector_load %arg9[%swap3A_415, %swap3A_416] {strides = array<i32>} : memref<32x512xf32, #tpu.memory_space<vmem>>, vector<1x16xf32>,
        %swap3A_418 = vector.shape_cast %swap3A_417 : vector<1x16xf32> to vector<16xf32>
        %swap3A_419 = vector.shape_cast %mul3A_414 : vector<16xf32> to vector<1x16xf32>
        tpu.vector_store %arg9[%swap3A_415, %swap3A_416], %swap3A_419 {strides = array<i32>} : memref<32x512xf32, #tpu.memory_space<vmem>>, vector<1x16xf32>,
        %get3A_420 = arith.index_cast %scan3A_97 : i32 to index
        %get3A_421 = arith.constant 432 : index
        %get3A_422 = tpu.vector_load %arg7[%get3A_420, %get3A_421] {strides = array<i32>} : memref<32x512xf32, #tpu.memory_space<vmem>>, vector<1x16xf32>,
        %get3A_423 = vector.shape_cast %get3A_422 : vector<1x16xf32> to vector<16xf32>
        %mul3A_424 = arith.constant 22.6274166 : f32
        %mul3A_425 = vector.broadcast %mul3A_424 : f32 to vector<16xf32>
        %mul3A_426 = arith.mulf %get3A_423, %mul3A_425 : vector<16xf32>
        %swap3A_427 = arith.index_cast %scan3A_97 : i32 to index
        %swap3A_428 = arith.constant 432 : index
        %swap3A_429 = tpu.vector_load %arg9[%swap3A_427, %swap3A_428] {strides = array<i32>} : memref<32x512xf32, #tpu.memory_space<vmem>>, vector<1x16xf32>,
        %swap3A_430 = vector.shape_cast %swap3A_429 : vector<1x16xf32> to vector<16xf32>
        %swap3A_431 = vector.shape_cast %mul3A_426 : vector<16xf32> to vector<1x16xf32>
        tpu.vector_store %arg9[%swap3A_427, %swap3A_428], %swap3A_431 {strides = array<i32>} : memref<32x512xf32, #tpu.memory_space<vmem>>, vector<1x16xf32>,
        %get3A_432 = arith.index_cast %scan3A_97 : i32 to index
        %get3A_433 = arith.constant 448 : index
        %get3A_434 = tpu.vector_load %arg7[%get3A_432, %get3A_433] {strides = array<i32>} : memref<32x512xf32, #tpu.memory_space<vmem>>, vector<1x16xf32>,
        %get3A_435 = vector.shape_cast %get3A_434 : vector<1x16xf32> to vector<16xf32>
        %mul3A_436 = arith.constant 22.6274166 : f32
        %mul3A_437 = vector.broadcast %mul3A_436 : f32 to vector<16xf32>
        %mul3A_438 = arith.mulf %get3A_435, %mul3A_437 : vector<16xf32>
        %swap3A_439 = arith.index_cast %scan3A_97 : i32 to index
        %swap3A_440 = arith.constant 448 : index
        %swap3A_441 = tpu.vector_load %arg9[%swap3A_439, %swap3A_440] {strides = array<i32>} : memref<32x512xf32, #tpu.memory_space<vmem>>, vector<1x16xf32>,
        %swap3A_442 = vector.shape_cast %swap3A_441 : vector<1x16xf32> to vector<16xf32>
        %swap3A_443 = vector.shape_cast %mul3A_438 : vector<16xf32> to vector<1x16xf32>
        tpu.vector_store %arg9[%swap3A_439, %swap3A_440], %swap3A_443 {strides = array<i32>} : memref<32x512xf32, #tpu.memory_space<vmem>>, vector<1x16xf32>,
        %get3A_444 = arith.index_cast %scan3A_97 : i32 to index
        %get3A_445 = arith.constant 464 : index
        %get3A_446 = tpu.vector_load %arg7[%get3A_444, %get3A_445] {strides = array<i32>} : memref<32x512xf32, #tpu.memory_space<vmem>>, vector<1x16xf32>,
        %get3A_447 = vector.shape_cast %get3A_446 : vector<1x16xf32> to vector<16xf32>
        %mul3A_448 = arith.constant 22.6274166 : f32
        %mul3A_449 = vector.broadcast %mul3A_448 : f32 to vector<16xf32>
        %mul3A_450 = arith.mulf %get3A_447, %mul3A_449 : vector<16xf32>
        %swap3A_451 = arith.index_cast %scan3A_97 : i32 to index
        %swap3A_452 = arith.constant 464 : index
        %swap3A_453 = tpu.vector_load %arg9[%swap3A_451, %swap3A_452] {strides = array<i32>} : memref<32x512xf32, #tpu.memory_space<vmem>>, vector<1x16xf32>,
        %swap3A_454 = vector.shape_cast %swap3A_453 : vector<1x16xf32> to vector<16xf32>
        %swap3A_455 = vector.shape_cast %mul3A_450 : vector<16xf32> to vector<1x16xf32>
        tpu.vector_store %arg9[%swap3A_451, %swap3A_452], %swap3A_455 {strides = array<i32>} : memref<32x512xf32, #tpu.memory_space<vmem>>, vector<1x16xf32>,
        %get3A_456 = arith.index_cast %scan3A_97 : i32 to index
        %get3A_457 = arith.constant 480 : index
        %get3A_458 = tpu.vector_load %arg7[%get3A_456, %get3A_457] {strides = array<i32>} : memref<32x512xf32, #tpu.memory_space<vmem>>, vector<1x16xf32>,
        %get3A_459 = vector.shape_cast %get3A_458 : vector<1x16xf32> to vector<16xf32>
        %mul3A_460 = arith.constant 22.6274166 : f32
        %mul3A_461 = vector.broadcast %mul3A_460 : f32 to vector<16xf32>
        %mul3A_462 = arith.mulf %get3A_459, %mul3A_461 : vector<16xf32>
        %swap3A_463 = arith.index_cast %scan3A_97 : i32 to index
        %swap3A_464 = arith.constant 480 : index
        %swap3A_465 = tpu.vector_load %arg9[%swap3A_463, %swap3A_464] {strides = array<i32>} : memref<32x512xf32, #tpu.memory_space<vmem>>, vector<1x16xf32>,
        %swap3A_466 = vector.shape_cast %swap3A_465 : vector<1x16xf32> to vector<16xf32>
        %swap3A_467 = vector.shape_cast %mul3A_462 : vector<16xf32> to vector<1x16xf32>
        tpu.vector_store %arg9[%swap3A_463, %swap3A_464], %swap3A_467 {strides = array<i32>} : memref<32x512xf32, #tpu.memory_space<vmem>>, vector<1x16xf32>,
        %get3A_468 = arith.index_cast %scan3A_97 : i32 to index
        %get3A_469 = arith.constant 496 : index
        %get3A_470 = tpu.vector_load %arg7[%get3A_468, %get3A_469] {strides = array<i32>} : memref<32x512xf32, #tpu.memory_space<vmem>>, vector<1x16xf32>,
        %get3A_471 = vector.shape_cast %get3A_470 : vector<1x16xf32> to vector<16xf32>
        %mul3A_472 = arith.constant 22.6274166 : f32
        %mul3A_473 = vector.broadcast %mul3A_472 : f32 to vector<16xf32>
        %mul3A_474 = arith.mulf %get3A_471, %mul3A_473 : vector<16xf32>
        %swap3A_475 = arith.index_cast %scan3A_97 : i32 to index
        %swap3A_476 = arith.constant 496 : index
        %swap3A_477 = tpu.vector_load %arg9[%swap3A_475, %swap3A_476] {strides = array<i32>} : memref<32x512xf32, #tpu.memory_space<vmem>>, vector<1x16xf32>,
        %swap3A_478 = vector.shape_cast %swap3A_477 : vector<1x16xf32> to vector<16xf32>
        %swap3A_479 = vector.shape_cast %mul3A_474 : vector<16xf32> to vector<1x16xf32>
        tpu.vector_store %arg9[%swap3A_475, %swap3A_476], %swap3A_479 {strides = array<i32>} : memref<32x512xf32, #tpu.memory_space<vmem>>, vector<1x16xf32>,
      }
      %scan3A_83 = arith.constant 32 : i32
      %mul3A_84 = arith.constant 32 : i32
      %mul3A_85 = arith.muli %add3A_65, %mul3A_84 : i32
      %add3A_86 = arith.addi %mul3A_2, %mul3A_85 : i32
      %multiple_of3A_87 = tpu.assume_multiple %add3A_86, 8 : i32
      %dma_start3A_88 = arith.constant 0 : i32
      %dma_start3A_89 = tpu.memref_slice %arg4[%multiple_of3A_87, %dma_start3A_88] : memref<204800x512xf32, #tpu.memory_space<hbm>> -> memref<32x512xf32, #tpu.memory_space<hbm>>
      %dma_start3A_90 = arith.constant 0 : i32
      %dma_start3A_91 = tpu.memref_slice %arg4[%multiple_of3A_87, %dma_start3A_90] : memref<204800x512xf32, #tpu.memory_space<hbm>> -> memref<32x512xf32, #tpu.memory_space<hbm>>
      tpu.enqueue_dma source(%arg9 : memref<32x512xf32, #tpu.memory_space<vmem>>) target(%dma_start3A_91 : memref<32x512xf32, #tpu.memory_space<hbm>>) target_semaphore(%arg13 : memref<!tpu.dma_semaphore, #tpu.memory_space<semaphore_mem>>)
      %lt3A_92 = arith.constant 99 : i32
      %lt3A_93 = arith.cmpi slt, %scan3A_32, %lt3A_92 : i32
      %convert_element_type3A_94 = arith.extui %lt3A_93 : i1 to i32
      %cond3A_95 = arith.constant 0 : i32
      %cond3A_96 = arith.cmpi ne, %convert_element_type3A_94, %cond3A_95 : i32
      scf.if %cond3A_96 {
        %add3A_97 = arith.constant 2 : i32
        %add3A_98 = arith.addi %add3A_65, %add3A_97 : i32
        %mul3A_99 = arith.constant 32 : i32
        %mul3A_100 = arith.muli %add3A_98, %mul3A_99 : i32
        %multiple_of3A_101 = tpu.assume_multiple %mul3A_100, 8 : i32
        %dma_start3A_102 = tpu.memref_slice %arg5[%multiple_of3A_101] : memref<6400xi32, #tpu.memory_space<vmem>> -> memref<32xi32, #tpu.memory_space<vmem>>
        %dma_start3A_103 = arith.constant 0 : i32
        %dma_start3A_104 = arith.constant 0 : i32
        %dma_start3A_105 = tpu.memref_slice %arg2[%dma_start3A_103, %dma_start3A_104] : memref<100000x512xf32, #tpu.memory_space<hbm>> -> memref<100000x512xf32, #tpu.memory_space<hbm>>
        tpu.enqueue_indirect_dma source(%dma_start3A_105 : memref<100000x512xf32, #tpu.memory_space<hbm>>) target(%arg7 : memref<32x512xf32, #tpu.memory_space<vmem>>) offsets(%dma_start3A_102 : memref<32xi32, #tpu.memory_space<vmem>>) semaphore(%arg11 : memref<!tpu.dma_semaphore, #tpu.memory_space<semaphore_mem>>)
      } else {
      }
    }
    %scan3A_18 = arith.constant 100 : i32
    %add3A_19 = arith.constant 6336 : i32
    %add3A_20 = arith.addi %mul3A_2, %add3A_19 : i32
    %multiple_of3A_21 = tpu.assume_multiple %add3A_20, 8 : i32
    %dma_wait3A = arith.constant 0 : i32
    %dma_wait3A_22 = tpu.memref_slice %arg4[%multiple_of3A_21, %dma_wait3A] : memref<204800x512xf32, #tpu.memory_space<hbm>> -> memref<32x512xf32, #tpu.memory_space<hbm>>
    %dma_wait3A_23 = arith.constant 0 : i32
    %dma_wait3A_24 = tpu.memref_slice %arg4[%multiple_of3A_21, %dma_wait3A_23] : memref<204800x512xf32, #tpu.memory_space<hbm>> -> memref<32x512xf32, #tpu.memory_space<hbm>>
    tpu.wait_dma2 semaphore(%arg12 : memref<!tpu.dma_semaphore, #tpu.memory_space<semaphore_mem>>) src(%arg8 : memref<32x512xf32, #tpu.memory_space<vmem>>) dst(%dma_wait3A_24 : memref<32x512xf32, #tpu.memory_space<hbm>>)
    %add3A_25 = arith.constant 6368 : i32
    %add3A_26 = arith.addi %mul3A_2, %add3A_25 : i32
    %multiple_of3A_27 = tpu.assume_multiple %add3A_26, 8 : i32
    %dma_wait3A_28 = arith.constant 0 : i32
    %dma_wait3A_29 = tpu.memref_slice %arg4[%multiple_of3A_27, %dma_wait3A_28] : memref<204800x512xf32, #tpu.memory_space<hbm>> -> memref<32x512xf32, #tpu.memory_space<hbm>>
    %dma_wait3A_30 = arith.constant 0 : i32
    %dma_wait3A_31 = tpu.memref_slice %arg4[%multiple_of3A_27, %dma_wait3A_30] : memref<204800x512xf32, #tpu.memory_space<hbm>> -> memref<32x512xf32, #tpu.memory_space<hbm>>
    tpu.wait_dma2 semaphore(%arg13 : memref<!tpu.dma_semaphore, #tpu.memory_space<semaphore_mem>>) src(%arg9 : memref<32x512xf32, #tpu.memory_space<vmem>>) dst(%dma_wait3A_31 : memref<32x512xf32, #tpu.memory_space<hbm>>)
    return
  }
}

</mosaic_0001>

<sc_bundles>
// kernel: kernel.3.cloned.1.call-start
scs
__scs_entry_jumppad:
0x0: {  	(pc) =	sbr.rel $0x88, $3  }
0x1: {  	(tag) =	ssettag $0x0;
	lr =	simm.s32 $0x1  }
0x2: {  	[smem:$0x3F9F] =	sst lr;
	_ =	strace $0xD0000000  }
0x3: {  	_ = 	snop  }
0x4: {  	_ = 	snop  }
0x5: {  	_ = 	snop  }
0x6: {  	_ = 	snop  }
0x7: {  	_ = 	snop  }
__scs_overlays_trampoline_lowered:
0x8: {  	[smem:$0x3FAE] =	sst s0  }
0x9: {  	[smem:$0x3FAF] =	sst s1  }
0xa: {  	[smem:$0x3FB0] =	sst s2  }
0xb: {  	[smem:$0x3FB1] =	sst s3  }
0xc: {  	[smem:$0x3FB2] =	sst s4  }
0xd: {  	[smem:$0x3FB3] =	sst s5  }
0xe: {  	[smem:$0x3FB4] =	sst s6  }
0xf: {  	[smem:$0x3FB5] =	sst s7  }
0x10: {  	[smem:$0x3FB6] =	sst s8  }
0x11: {  	[smem:$0x3FB7] =	sst s9;
	s0 =	simm.s32 @!p0 $0x0  }
0x12: {  	s1 =	sld [smem:$0x3F9D];
	s0 =	simm.s32 @p0 $0x1  }
0x13: {  	[smem:$0x3FB8] =	sst s0;
	s0 =	simm.s32 @!p1 $0x0  }
0x14: {  	s2 =	sld [smem:$0x3F9C];
	s0 =	simm.s32 @p1 $0x1  }
0x15: {  	[smem:$0x3FB9] =	sst s0;
	s0 =	simm.s32 @!p2 $0x0  }
0x16: {  	s3 =	sld [smem:$0x3FDB];
	s0 =	simm.s32 @p2 $0x1  }
0x17: {  	s4 =	simm.s32 $0x1BF5;
	[smem:$0x3FBB] =	sst s0  }
0x18: {  	s0 =	sld [smem:$0x3F9E];
	_ =	swait.ge [sflag:s4], $0x0  }
0x19: {  	s7 =	sld [smem:$0x3F9F]  }
0x1a: {  	s8 =	sadd.s32 $0xFFFFE003, lr  }
0x1b: {  	s9 =	sadd.s32 $0xFFFFFEF7, lr;
	s5 =	simm.s32 $0xFFFFFFFF;
	p2 =	slt.u32 s8, $0xFFFFF086  }
0x1c: {  	p1 =	slt.u32 s9, $0xF7A;
	s5 =	simm.s32 @!p2 $0x0  }
0x1d: {  	s5 =	simm.s32 @p1 $0x1;
	p0 =	seq.s32 s7, s2  }
0x1e: {  	s7 =	smul.u32 @!p0 $0xF7A, s2;
	p2 =	seq.s32 @!p0 s5, $0x0  }
0x1f: {  	s9 =	smul.u32 $0xF7A, s1;
	s8 =	simm.s32 @!p0 $0x1BF5;
	p2 =	por !p2, p0  }
0x20: {  	[sflag:s8] =	ssyncset.s32 @!p0 $0xFFFFF086;
	s6 =	sadd.s32 @!p0 s3, s7;
	s7 =	simm.s32 @!p0 $0x108  }
0x21: {  	s3 =	sadd.s32 s3, s9;
	s6 =	sadd.s32 @!p0 $0x88, s6;
	s7 =	simm.s32 @p2 $0x1082  }
0x22: {  	[simem:s7], [sflag:s8] =	dma.local @!p0 [hbm:s6], $0xF7A  }
0x23: {  	s9 =	sor.u32 $0xD0000000, s2;
	s6 =	simm.s32 $0x108;
	_ =	swait.ge @!p0 [sflag:s8], $0x0  }
0x24: {  	s3 =	sadd.s32 $0x88, s3;
	s6 =	simm.s32 @!p1 $0x1082;
	[sflag:s4] =	ssyncset.s32 $0xFFFFF086  }
0x25: {  	[simem:s6], [sflag:s4] =	dma.local [hbm:s3], $0xF7A  }
0x26: {  	[smem:$0x3F9F] =	sst s1;
	(tag) =	ssettag s2;
	_ =	strace s9  }
0x27: {  	s1 =	sld [smem:$0x3FAF]  }
0x28: {  	s2 =	sld [smem:$0x3FB0]  }
0x29: {  	s4 =	sld [smem:$0x3FB2]  }
0x2a: {  	p0 =	seq.s32 s5, $0x0;
	s5 =	sld [smem:$0x3FB3]  }
0x2b: {  	s6 =	sld [smem:$0x3FB4]  }
0x2c: {  	s7 =	sld [smem:$0x3FB5]  }
0x2d: {  	s3 =	simm.s32 $0x108;
	s8 =	sld [smem:$0x3FB6]  }
0x2e: {  	s3 =	simm.s32 @!p0 $0x1082;
	s9 =	sld [smem:$0x3FB7]  }
0x2f: {  	lr =	sadd.s32 s0, s3;
	s0 =	sld [smem:$0x3FAE]  }
0x30: {  	s3 =	sld [smem:$0x3FB1]  }
0x31: {  	[smem:$0x3FBA] =	sst s10  }
0x32: {  	s10 =	sld [smem:$0x3FB8];
	_ =	sdelay $0x3  }
0x33: {  	p0 =	seq.s32 s10, $0x1;
	s10 =	sld [smem:$0x3FBA];
	_ =	sdelay $0x3  }
0x34: {  	[smem:$0x3FBA] =	sst s10  }
0x35: {  	s10 =	sld [smem:$0x3FB9];
	_ =	sdelay $0x3  }
0x36: {  	p1 =	seq.s32 s10, $0x1;
	s10 =	sld [smem:$0x3FBA];
	_ =	sdelay $0x3  }
0x37: {  	[smem:$0x3FBA] =	sst s10  }
0x38: {  	s10 =	sld [smem:$0x3FBB]  }
0x39: {  	_ = 	snop;
	(pc) =	sbr.ind lr, $3  }
0x3a: {  	_ = 	snop  }
0x3b: {  	_ = 	snop  }
0x3c: {  	p2 =	seq.s32 s10, $0x1;
	s10 =	sld [smem:$0x3FBA]  }
0x3d: {  	_ =	shalt  }
0x3e: {  	_ =	shalt  }
0x3f: {  	_ =	shalt  }
0x40: {  	_ =	shalt  }
0x41: {  	_ =	shalt  }
0x42: {  	_ =	shalt  }
0x43: {  	_ =	shalt  }
0x44: {  	_ =	shalt  }
0x45: {  	_ =	shalt  }
0x46: {  	_ =	shalt  }
0x47: {  	_ =	shalt  }
0x48: {  	_ =	shalt  }
0x49: {  	_ =	shalt  }
0x4a: {  	_ =	shalt  }
0x4b: {  	_ =	shalt  }
0x4c: {  	_ =	shalt  }
0x4d: {  	_ =	shalt  }
0x4e: {  	_ =	shalt  }
0x4f: {  	_ =	shalt  }
0x50: {  	_ =	shalt  }
0x51: {  	_ =	shalt  }
0x52: {  	_ =	shalt  }
0x53: {  	_ =	shalt  }
0x54: {  	_ =	shalt  }
0x55: {  	_ =	shalt  }
0x56: {  	_ =	shalt  }
0x57: {  	_ =	shalt  }
0x58: {  	_ =	shalt  }
0x59: {  	_ =	shalt  }
0x5a: {  	_ =	shalt  }
0x5b: {  	_ =	shalt  }
0x5c: {  	_ =	shalt  }
0x5d: {  	_ =	shalt  }
0x5e: {  	_ =	shalt  }
0x5f: {  	_ =	shalt  }
0x60: {  	_ =	shalt  }
0x61: {  	_ =	shalt  }
0x62: {  	_ =	shalt  }
0x63: {  	_ =	shalt  }
0x64: {  	_ =	shalt  }
0x65: {  	_ =	shalt  }
0x66: {  	_ =	shalt  }
0x67: {  	_ =	shalt  }
0x68: {  	_ =	shalt  }
0x69: {  	_ =	shalt  }
0x6a: {  	_ =	shalt  }
0x6b: {  	_ =	shalt  }
0x6c: {  	_ =	shalt  }
0x6d: {  	_ =	shalt  }
0x6e: {  	_ =	shalt  }
0x6f: {  	_ =	shalt  }
0x70: {  	_ =	shalt  }
0x71: {  	_ =	shalt  }
0x72: {  	_ =	shalt  }
0x73: {  	_ =	shalt  }
0x74: {  	_ =	shalt  }
0x75: {  	_ =	shalt  }
0x76: {  	_ =	shalt  }
0x77: {  	_ =	shalt  }
0x78: {  	_ =	shalt  }
0x79: {  	_ =	shalt  }
0x7a: {  	_ =	shalt  }
0x7b: {  	_ =	shalt  }
0x7c: {  	_ =	shalt  }
0x7d: {  	_ =	shalt  }
0x7e: {  	_ =	shalt  }
0x7f: {  	_ =	shalt  }
0x80: {  	_ =	shalt  }
0x81: {  	_ =	shalt  }
0x82: {  	_ =	shalt  }
0x83: {  	_ =	shalt  }
0x84: {  	_ =	shalt  }
0x85: {  	_ =	shalt  }
0x86: {  	_ =	shalt  }
0x87: {  	_ =	shalt  }
.Lfunc_end0:
.L_simem_size_0:
called_computation_lowered:
.L_overlay_start_0:
0x88: {  	s2 =	sld [smem:$0x3FD9]  }
0x89: {  	s3 =	sld [smem:$0x3FFE];
	_ =	sdelay $0x1  }
0x8a: {  	s1 =	srdreg.scid  }
0x8b: {  	s0 =	sand.u32 $0x1, s1  }
0x8c: {  	s17 =	sshll.u32 s0, $0xA;
	s2 =	sadd.s32 s3, s2  }
0x8d: {  	s2 =	sadd.s32 s2, s17  }
0x8e: {  	[smem:$0x3FC6] =	sst s2  }
0x8f: {  	_ = 	snop  }
0x90: {  	s2 =	sld [smem:$0x3FC8]  }
0x91: {  	s18 =	sld [smem:$0x3FD0];
	(tm) =	ssettm $0x1  }
0x92: {  	s4 =	sld [smem:$0x3FFB];
	_ =	sdelay $0x3  }
0x93: {  	_ =	strace s4  }
0x94: {  	s4 =	sld [smem:$0x3FFC];
	_ =	sdelay $0x3  }
0x95: {  	_ =	strace s4  }
0x96: {  	s4 =	sld [smem:$0x3FFD];
	_ =	sdelay $0x3  }
0x97: {  	_ =	strace s4  }
0x98: {  	_ =	strace $0x8FFFFFFF  }
0x99: {  	s19 =	sld [smem:$0x3FDB];
	_ =	sdelay $0x1  }
0x9a: {  	s5 =	simm.s32 $_scs_section_size  }
0x9b: {  	s6 =	simm.s32 $_size__tile_overlayer_lowered;
	s7 =	simm.s32 $_tile_overlayer_lowered  }
0x9c: {  	s22 =	simm.s32 $0x1BFF;
	s21 =	sshll.u32 s7, $0x1;
	s4 =	sadd.s32 s5, s19  }
0x9d: {  	s8 =	simm.s32 $0x0;
	s20 =	sshll.u32 s6, $0x1;
	s6 =	sadd.s32 s21, s4  }
0x9e: {  	[timem:s8], [sflag:s22] =	dma.local [hbm:s6], s20  }
0x9f: {  	_ =	swait.ge [sflag:s22], s20  }
0xa0: {  	s5 =	ssub.s32 $0x0, s20;
	[sflag:s22] =	ssyncset.done $0x0  }
0xa1: {  	[sflag:s22] =	ssyncadd.s32 s5;
	_ =	sdelay $0x1  }
0xa2: {  	s23 =	simm.s32 $0x1B8B  }
0xa3: {  	_ =	swait.ge [sflag:s23], $0x1  }
0xa4: {  	[sflag:s23] =	ssyncset.done $0x0  }
0xa5: {  	s25 =	simm.s32 $0x1B8E;
	s24 =	sld [smem:$0x3FFE];
	[sflag:s23] =	ssyncadd.s32 $0xFFFFFFFF  }
0xa6: {  	s26 =	simm.s32 $execute0_lowered;
	[smem:$0x3FD2] =	sst s25  }
0xa7: {  	s6 =	sshll.u32 s26, $0x1;
	_ =	strace $0x80000046;
	[dreg:$0x1] =	wrdreg $0xFFFFFFFF  }
0xa8: {  	s28 =	simm.s32 $_size_execute0_lowered;
	s4 =	sadd.s32 s4, s6;
	[dreg:$0x0] =	wrdreg $0x0  }
0xa9: {  	s6 =	sshll.u32 s28, $0x1;
	[dreg:$0x2] =	wrdreg s4  }
0xaa: {  	[dreg:$0x3] =	wrdreg s6  }
0xab: {  	[dreg:$0x4] =	wrdreg $0xC0  }
0xac: {  	_ =	task [dreg:s8], $0x5FFFF  }
0xad: {  	[dreg:$0x1] =	wrdreg $0xFFFFFFFF  }
0xae: {  	[dreg:$0x0] =	wrdreg $0x60  }
0xaf: {  	[dreg:$0x2] =	wrdreg s2  }
0xb0: {  	[dreg:$0x3] =	wrdreg s24  }
0xb1: {  	[dreg:$0x4] =	wrdreg s18  }
0xb2: {  	[dreg:$0x5] =	wrdreg $0x9  }
0xb3: {  	_ =	task.clear_ibuf [dreg:s8], $0x6FFFF;
	_ =	strace $0x90000046  }
0xb4: {  	s29 =	simm.s32 $0x9;
	_ =	strace $0x80000048  }
0xb5: {  	_ =	swait.ge [sflag:s29], $0x1  }
0xb6: {  	[sflag:s29] =	ssyncadd.s32 $0xFFFFFFFF  }
0xb7: {  	_ =	strace $0x90000048  }
0xb8: {  	_ =	sfence  }
0xb9: {  	s30 =	sld [smem:$0x0];
	_ =	sdelay $0x2  }
0xba: {  	s31 =	sshll.u32 s1, $0xD;
	s1 =	sshrl.u32 s1, $0x2  }
0xbb: {  	s3 =	sand.u32 $0x4000, s31;
	s1 =	sadd.s32 s1, s30  }
0xbc: {  	s0 =	sor.u32 s3, s0;
	s1 =	sshll.u32 s1, $0x11  }
0xbd: {  	s0 =	sor.u32 s1, s0  }
0xbe: {  	s0 =	sadd.s32 $0x8F2B, s0  }
0xbf: {  	[sflag:s0] =	ssyncadd.remote.s32 $0x1  }
0xc0: {  	_ =	sfence.sel $0xFFFF  }
0xc1: {  	[dreg:$0x0] =	wrdreg $0xFFFFFFFF;
	(pc) =	sbr.abs _section_cstart, $3  }
0xc2: {  	[dreg:$0x1] =	wrdreg $0xFFFFFFFF  }
0xc3: {  	_ =	task.clear_ibuf [dreg:s8], $0x2FFFF;
	_ =	strace $0x9FFFFFFF  }
0xc4: {  	(tm) =	ssettm $0x7FFFFFFF  }
0xc5: {  	_ =	shalt  }
tec
execute0_lowered:
.L_overlay_start_1:
0x0: {  	(tag) =	ssettag $0x1  }
0x1: {  	s1 =	rddreg [dreg:$0x0]  }
0x2: {  	s0 =	rddreg [dreg:$0x1];
	s2 =	srdreg.scid  }
0x3: {  	s4 =	stileid.u32;
	s3 =	rddreg [dreg:$0x2];
	s14 =	simm.s32 $0x3100  }
0x4: {  	s15 =	simm.s32 $0x3900;
	s16 =	simm.s32 $0x4100;
	s17 =	simm.s32 $0x4900  }
0x5: {  	s18 =	simm.s32 $0x5100;
	s19 =	simm.s32 $0x5900;
	s20 =	simm.s32 $0x6100  }
0x6: {  	s21 =	simm.s32 $0x6900;
	s22 =	simm.s32 $0x7100;
	s23 =	simm.s32 $0x7900  }
0x7: {  	s24 =	simm.s32 $0x8100;
	s25 =	simm.s32 $0x8900;
	s28 =	simm.s32 $0x1  }
0x8: {  	s29 =	simm.s32 $0x9900;
	s2 =	sand.u32 $0x1, s2;
	s4 =	sshll.u32 s4, $0x1  }
0x9: {  	s30 =	simm.s32 $0x2;
	s31 =	simm.s32 $0x4;
	s5 =	sor.u32 s2, s4  }
0xa: {  	s4 =	simm.s32 $0x0;
	s2 =	ssub.s32 $0x2, s2;
	s6 =	smul.u32 $0x320, s5  }
0xb: {  	[smem:$0x7FF] =	sst s4;
	s7 =	sshrl.u32 s2, $0x1;
	s8 =	smul.u32 $0x64000, s5  }
.Ltmp0:
0xc: {  	_ =	strace $0x80000047;
	s2 =	ssub.s32 s2, s7;
	(pc) =	sbr.rel .LBB2_1-.Ltmp0, $4  }
0xd: {  	s7 =	smul.u32 $0x320000, s5;
	s5 =	simm.s32 $0x0;
	s0 =	sadd.s32 s6, s0  }
0xe: {  	v2 =	vlaneseq.u32;
	s6 =	sadd.s32 $0x100, s1;
	s26 =	sadd.s32 s8, s3;
	s2 =	smax.u32 s2, $0x1  }
0xf: {  	vm0 =	vmmov $0xffff;
	v1 =	vshrl.u32 v2, $0x3;
	s0 =	sadd.s32 $0x400, s0;
	[dreg:$0x5] =	wrdreg s2;
	s9 =	sadd.s32 $0x800, s26  }
0x10: {  	v0 =	vand.u32 $0x7, v2;
	v2 =	vor.u32 $0x8, v2;
	v1 =	vmul.u32 $0x8, v1;
	s26 =	simm.s32 $0x9100;
	s2 =	simm.s32 $0xD900;
	[dreg:$0x4] =	wrdreg s0  }
.LBB2_12:
0x11: {  	s0 =	simm.s32 $0x3  }
0x12: {  	_ =	swait.ge [sflag:s0], $0x4000  }
0x13: {  	[sflag:s0] =	ssyncset.done $0x0  }
0x14: {  	[sflag:s0] =	ssyncadd.s32 $0xFFFFC000  }
0x15: {  	_ =	swait.ge [sflag:s31], $0x4000  }
0x16: {  	s5 =	rddreg [dreg:$0x6]  }
0x17: {  	s13 =	rddreg [dreg:$0x5];
	s5 =	sadd.s32 $0x1, s5  }
0x18: {  	p0 =	sne.s32 s5, s13  }
.Ltmp1:
0x19: {  	_ = 	snop;
	(pc) =	sbr.rel @!p0 .LBB2_13-.Ltmp1, $3  }
0x1a: {  	_ =	sdelay $0x1  }
0x1b: {  	[sflag:s31] =	ssyncset.done $0x0  }
0x1c: {  	[sflag:s31] =	ssyncadd.s32 $0xFFFFC000  }
.LBB2_1:
0x1d: {  	[dreg:$0x6] =	wrdreg s5  }
0x1e: {  	s0 =	rddreg [dreg:$0x4];
	s10 =	simm.s32 $0x5  }
0x1f: {  	[tilespmem:s4], [sflag:$0x5] =	stream.linear.gather [hbm4b:s0+s4], $0x1900, $0x38;
	[tilespmem:$0x11900] =	vst v63  }
0x20: {  	_ =	swait.ge [sflag:s10], $0x1900  }
0x21: {  	[sflag:s10] =	ssyncset.done $0x0  }
0x22: {  	[sflag:s10] =	ssyncadd.s32 $0xFFFFE700  }
0x23: {  	v3 =	vld [tilespmem:$0x0];
	_ =	sdelay $0x4  }
0x24: {  	v4 =	vshll.u32 v3, $0x2  }
0x25: {  	v3 =	vand.u32 $0x7, v3;
	v4 =	vand.u32 $0xFFFFFFE0, v4  }
0x26: {  	v3 =	vor.u32 v3, v4  }
0x27: {  	v4 =	vperm.xlane v3, v0;
	_ =	sdelay $0x1  }
0x28: {  	v4 =	vadd.s32 v1, v4;
	_ =	sdelay $0x1  }
0x29: {  	v3 =	vperm.xlane v3, v2;
	_ =	sdelay $0x1  }
0x2a: {  	s11 =	simm.s32 $0x1900;
	v3 =	vadd.s32 v1, v3  }
0x2b: {  	[tilespmem:s11], [sflag:$0x1] =	stream.indirect_vreg.gather [hbm4b:s1+s4], $0x80, v4, vm0, $0xb8;
	[tilespmem:$0x11900] =	vst v63  }
0x2c: {  	s12 =	simm.s32 $0x2100  }
0x2d: {  	[tilespmem:s12], [sflag:$0x1] =	stream.indirect_vreg.gather [hbm4b:s6+s4], $0x80, v4, vm0, $0xb8;
	[tilespmem:$0x11900] =	vst v63  }
0x2e: {  	s13 =	simm.s32 $0x2900  }
0x2f: {  	[tilespmem:s13], [sflag:$0x1] =	stream.indirect_vreg.gather [hbm4b:s1+s4], $0x80, v3, vm0, $0xb8;
	[tilespmem:$0x11900] =	vst v63  }
0x30: {  	_ = 	snop  }
0x31: {  	[tilespmem:s14], [sflag:$0x1] =	stream.indirect_vreg.gather [hbm4b:s6+s4], $0x80, v3, vm0, $0xb8;
	[tilespmem:$0x11900] =	vst v63  }
0x32: {  	v3 =	vld [tilespmem:$0x10];
	_ =	sdelay $0x4  }
0x33: {  	v61 =	vshll.u32 v3, $0x2  }
0x34: {  	v3 =	vand.u32 $0x7, v3;
	v4 =	vand.u32 $0xFFFFFFE0, v61  }
0x35: {  	v3 =	vor.u32 v3, v4  }
0x36: {  	v4 =	vperm.xlane v3, v0;
	_ =	sdelay $0x1  }
0x37: {  	v4 =	vadd.s32 v1, v4;
	_ =	sdelay $0x1  }
0x38: {  	v3 =	vperm.xlane v3, v2;
	_ =	sdelay $0x1  }
0x39: {  	v3 =	vadd.s32 v1, v3  }
0x3a: {  	[tilespmem:s15], [sflag:$0x1] =	stream.indirect_vreg.gather [hbm4b:s1+s4], $0x80, v4, vm0, $0xb8;
	[tilespmem:$0x11900] =	vst v63  }
0x3b: {  	_ = 	snop  }
0x3c: {  	[tilespmem:s16], [sflag:$0x1] =	stream.indirect_vreg.gather [hbm4b:s6+s4], $0x80, v4, vm0, $0xb8;
	[tilespmem:$0x11900] =	vst v63  }
0x3d: {  	_ = 	snop  }
0x3e: {  	[tilespmem:s17], [sflag:$0x1] =	stream.indirect_vreg.gather [hbm4b:s1+s4], $0x80, v3, vm0, $0xb8;
	[tilespmem:$0x11900] =	vst v63  }
0x3f: {  	_ = 	snop  }
0x40: {  	[tilespmem:s18], [sflag:$0x1] =	stream.indirect_vreg.gather [hbm4b:s6+s4], $0x80, v3, vm0, $0xb8;
	[tilespmem:$0x11900] =	vst v63  }
0x41: {  	v3 =	vld [tilespmem:$0x20];
	_ =	sdelay $0x4  }
0x42: {  	v62 =	vshll.u32 v3, $0x2  }
0x43: {  	v3 =	vand.u32 $0x7, v3;
	v4 =	vand.u32 $0xFFFFFFE0, v62  }
0x44: {  	v3 =	vor.u32 v3, v4  }
0x45: {  	v4 =	vperm.xlane v3, v0;
	_ =	sdelay $0x1  }
0x46: {  	v4 =	vadd.s32 v1, v4;
	_ =	sdelay $0x1  }
0x47: {  	v3 =	vperm.xlane v3, v2;
	_ =	sdelay $0x1  }
0x48: {  	v3 =	vadd.s32 v1, v3  }
0x49: {  	[tilespmem:s19], [sflag:$0x2] =	stream.indirect_vreg.gather [hbm4b:s1+s4], $0x80, v4, vm0, $0xb8;
	[tilespmem:$0x11900] =	vst v63  }
0x4a: {  	_ = 	snop  }
0x4b: {  	[tilespmem:s20], [sflag:$0x2] =	stream.indirect_vreg.gather [hbm4b:s6+s4], $0x80, v4, vm0, $0xb8;
	[tilespmem:$0x11900] =	vst v63  }
0x4c: {  	_ = 	snop  }
0x4d: {  	[tilespmem:s21], [sflag:$0x2] =	stream.indirect_vreg.gather [hbm4b:s1+s4], $0x80, v3, vm0, $0xb8;
	[tilespmem:$0x11900] =	vst v63  }
0x4e: {  	_ = 	snop  }
0x4f: {  	[tilespmem:s22], [sflag:$0x2] =	stream.indirect_vreg.gather [hbm4b:s6+s4], $0x80, v3, vm0, $0xb8;
	[tilespmem:$0x11900] =	vst v63  }
0x50: {  	v3 =	vld [tilespmem:$0x30];
	_ =	sdelay $0x4  }
0x51: {  	v63 =	vshll.u32 v3, $0x2  }
0x52: {  	v3 =	vand.u32 $0x7, v3;
	v4 =	vand.u32 $0xFFFFFFE0, v63  }
0x53: {  	v3 =	vor.u32 v3, v4  }
0x54: {  	v4 =	vperm.xlane v3, v0;
	_ =	sdelay $0x1  }
0x55: {  	v4 =	vadd.s32 v1, v4;
	_ =	sdelay $0x1  }
0x56: {  	v3 =	vperm.xlane v3, v2;
	_ =	sdelay $0x1  }
0x57: {  	v3 =	vadd.s32 v1, v3  }
0x58: {  	[tilespmem:s23], [sflag:$0x2] =	stream.indirect_vreg.gather [hbm4b:s1+s4], $0x80, v4, vm0, $0xb8;
	[tilespmem:$0x11900] =	vst v63  }
0x59: {  	_ = 	snop  }
0x5a: {  	[tilespmem:s24], [sflag:$0x2] =	stream.indirect_vreg.gather [hbm4b:s6+s4], $0x80, v4, vm0, $0xb8;
	[tilespmem:$0x11900] =	vst v63  }
0x5b: {  	_ = 	snop  }
0x5c: {  	[tilespmem:s25], [sflag:$0x2] =	stream.indirect_vreg.gather [hbm4b:s1+s4], $0x80, v3, vm0, $0xb8;
	[tilespmem:$0x11900] =	vst v63  }
0x5d: {  	s8 =	simm.s32 $0x0  }
0x5e: {  	[tilespmem:s26], [sflag:$0x2] =	stream.indirect_vreg.gather [hbm4b:s6+s4], $0x80, v3, vm0, $0xb8;
	[tilespmem:$0x11900] =	vst v63  }
.LBB2_2:
0x5f: {  	_ =	swait.ge [sflag:s28], $0x4000  }
0x60: {  	p0 =	seq.s32 s8, $0x0;
	[sflag:s28] =	ssyncset.done $0x0  }
0x61: {  	s0 =	simm.s32 @!p0 $0x3;
	[sflag:s28] =	ssyncadd.s32 $0xFFFFC000  }
0x62: {  	s5 =	simm.s32 $0x0;
	_ =	swait.ge @!p0 [sflag:s0], $0x4000  }
0x63: {  	s10 =	sand.u32 $0x3000, s5;
	s5 =	sand.u32 $0x380, s5;
	[sflag:s0] =	ssyncset.done @!p0 $0x0  }
0x64: {  	[sflag:s0] =	ssyncadd.s32 @!p0 $0xFFFFC000;
	s0 =	sor.u32 s5, s10  }
0x65: {  	v3 =	vld [tilespmem:s0+$0x2570]  }
0x66: {  	v4 =	vld [tilespmem:s0+$0x1900]  }
0x67: {  	v5 =	vld [tilespmem:s0+$0x1910]  }
0x68: {  	v6 =	vld [tilespmem:s0+$0x1920]  }
0x69: {  	v7 =	vld [tilespmem:s0+$0x1930]  }
0x6a: {  	v8 =	vld [tilespmem:s0+$0x1940];
	v3 =	vmul.f32 $2.262741660e+01, v3  }
0x6b: {  	v9 =	vld [tilespmem:s0+$0x1950];
	v4 =	vmul.f32 $2.262741660e+01, v4  }
0x6c: {  	v10 =	vld [tilespmem:s0+$0x1960];
	[tilespmem:s0+$0xA570] =	vst v3;
	v3 =	vmul.f32 $2.262741660e+01, v5  }
0x6d: {  	[tilespmem:s0+$0x9900] =	vst v4;
	v4 =	vld [tilespmem:s0+$0x1970];
	v5 =	vmul.f32 $2.262741660e+01, v6  }
0x6e: {  	v6 =	vmul.f32 $2.262741660e+01, v7;
	[tilespmem:s0+$0x9910] =	vst v3;
	v3 =	vld [tilespmem:s0+$0x1D00]  }
0x6f: {  	v7 =	vmul.f32 $2.262741660e+01, v8;
	[tilespmem:s0+$0x9920] =	vst v5;
	v5 =	vld [tilespmem:s0+$0x1D10]  }
0x70: {  	v8 =	vmul.f32 $2.262741660e+01, v9;
	[tilespmem:s0+$0x9930] =	vst v6;
	v6 =	vld [tilespmem:s0+$0x1D20]  }
0x71: {  	v9 =	vmul.f32 $2.262741660e+01, v10;
	[tilespmem:s0+$0x9940] =	vst v7;
	v7 =	vld [tilespmem:s0+$0x1D30]  }
0x72: {  	[tilespmem:s0+$0x9950] =	vst v8;
	v8 =	vld [tilespmem:s0+$0x1D40];
	v4 =	vmul.f32 $2.262741660e+01, v4  }
0x73: {  	[tilespmem:s0+$0x9960] =	vst v9;
	v9 =	vld [tilespmem:s0+$0x1D50];
	v3 =	vmul.f32 $2.262741660e+01, v3  }
0x74: {  	[tilespmem:s0+$0x9970] =	vst v4;
	v4 =	vld [tilespmem:s0+$0x1D60];
	v5 =	vmul.f32 $2.262741660e+01, v5  }
0x75: {  	v6 =	vmul.f32 $2.262741660e+01, v6;
	[tilespmem:s0+$0x9D00] =	vst v3;
	v3 =	vld [tilespmem:s0+$0x1D70]  }
0x76: {  	v7 =	vmul.f32 $2.262741660e+01, v7;
	[tilespmem:s0+$0x9D10] =	vst v5;
	v5 =	vld [tilespmem:s0+$0x2100]  }
0x77: {  	v8 =	vmul.f32 $2.262741660e+01, v8;
	[tilespmem:s0+$0x9D20] =	vst v6;
	v6 =	vld [tilespmem:s0+$0x2110]  }
0x78: {  	v9 =	vmul.f32 $2.262741660e+01, v9;
	[tilespmem:s0+$0x9D30] =	vst v7;
	v7 =	vld [tilespmem:s0+$0x2120]  }
0x79: {  	[tilespmem:s0+$0x9D40] =	vst v8;
	v8 =	vld [tilespmem:s0+$0x2130];
	v4 =	vmul.f32 $2.262741660e+01, v4  }
0x7a: {  	[tilespmem:s0+$0x9D50] =	vst v9;
	v9 =	vld [tilespmem:s0+$0x2140];
	v3 =	vmul.f32 $2.262741660e+01, v3  }
0x7b: {  	[tilespmem:s0+$0x9D60] =	vst v4;
	v4 =	vld [tilespmem:s0+$0x2150];
	v5 =	vmul.f32 $2.262741660e+01, v5  }
0x7c: {  	v6 =	vmul.f32 $2.262741660e+01, v6;
	[tilespmem:s0+$0x9D70] =	vst v3;
	v3 =	vld [tilespmem:s0+$0x2160]  }
0x7d: {  	v7 =	vmul.f32 $2.262741660e+01, v7;
	[tilespmem:s0+$0xA100] =	vst v5;
	v5 =	vld [tilespmem:s0+$0x2170]  }
0x7e: {  	v10 =	vld [tilespmem:s0+$0x2560];
	v8 =	vmul.f32 $2.262741660e+01, v8;
	[tilespmem:s0+$0xA110] =	vst v6  }
0x7f: {  	v9 =	vmul.f32 $2.262741660e+01, v9;
	v6 =	vld [tilespmem:s0+$0x2500];
	[tilespmem:s0+$0xA120] =	vst v7  }
0x80: {  	v7 =	vld [tilespmem:s0+$0x2510];
	[tilespmem:s0+$0xA130] =	vst v8;
	v4 =	vmul.f32 $2.262741660e+01, v4  }
0x81: {  	v8 =	vld [tilespmem:s0+$0x2520];
	[tilespmem:s0+$0xA140] =	vst v9;
	v3 =	vmul.f32 $2.262741660e+01, v3  }
0x82: {  	s12 =	simm.s32 $0x200;
	s13 =	simm.s32 $0x80;
	v9 =	vld [tilespmem:s0+$0x2530];
	[tilespmem:s0+$0xA150] =	vst v4;
	v5 =	vmul.f32 $2.262741660e+01, v5  }
0x83: {  	s5 =	sand.u32 $0x3000, s12;
	s10 =	sand.u32 $0x380, s13;
	v4 =	vld [tilespmem:s0+$0x2540];
	[tilespmem:s0+$0xA160] =	vst v3  }
0x84: {  	s10 =	sor.u32 s10, s5;
	v3 =	vld [tilespmem:s0+$0x2550];
	[tilespmem:s0+$0xA170] =	vst v5;
	v5 =	vmul.f32 $2.262741660e+01, v6  }
0x85: {  	v7 =	vmul.f32 $2.262741660e+01, v7;
	v6 =	vld [tilespmem:s10+$0x2570]  }
0x86: {  	v8 =	vmul.f32 $2.262741660e+01, v8;
	v11 =	vld [tilespmem:s10+$0x1900];
	[tilespmem:s0+$0xA500] =	vst v5  }
0x87: {  	v9 =	vmul.f32 $2.262741660e+01, v9;
	v5 =	vld [tilespmem:s10+$0x1910];
	[tilespmem:s0+$0xA510] =	vst v7  }
0x88: {  	v4 =	vmul.f32 $2.262741660e+01, v4;
	v7 =	vld [tilespmem:s10+$0x1920];
	[tilespmem:s0+$0xA520] =	vst v8  }
0x89: {  	v8 =	vld [tilespmem:s10+$0x1930];
	[tilespmem:s0+$0xA530] =	vst v9;
	v3 =	vmul.f32 $2.262741660e+01, v3  }
0x8a: {  	v9 =	vld [tilespmem:s10+$0x1940];
	[tilespmem:s0+$0xA540] =	vst v4;
	v6 =	vmul.f32 $2.262741660e+01, v6  }
0x8b: {  	v4 =	vld [tilespmem:s10+$0x1950];
	[tilespmem:s0+$0xA550] =	vst v3;
	v3 =	vmul.f32 $2.262741660e+01, v11  }
0x8c: {  	v11 =	vld [tilespmem:s10+$0x1960];
	[tilespmem:s10+$0xA570] =	vst v6;
	v5 =	vmul.f32 $2.262741660e+01, v5  }
0x8d: {  	[tilespmem:s10+$0x9900] =	vst v3;
	v3 =	vld [tilespmem:s10+$0x1970];
	v6 =	vmul.f32 $2.262741660e+01, v7  }
0x8e: {  	[tilespmem:s10+$0x9910] =	vst v5;
	v5 =	vld [tilespmem:s10+$0x1D00];
	v7 =	vmul.f32 $2.262741660e+01, v8  }
0x8f: {  	[tilespmem:s10+$0x9920] =	vst v6;
	v6 =	vld [tilespmem:s10+$0x1D10];
	v8 =	vmul.f32 $2.262741660e+01, v9  }
0x90: {  	[tilespmem:s10+$0x9930] =	vst v7;
	v7 =	vld [tilespmem:s10+$0x1D20];
	v4 =	vmul.f32 $2.262741660e+01, v4  }
0x91: {  	[tilespmem:s10+$0x9940] =	vst v8;
	v8 =	vld [tilespmem:s10+$0x1D30];
	v9 =	vmul.f32 $2.262741660e+01, v11  }
0x92: {  	[tilespmem:s10+$0x9950] =	vst v4;
	v4 =	vld [tilespmem:s10+$0x1D40];
	v3 =	vmul.f32 $2.262741660e+01, v3  }
0x93: {  	[tilespmem:s10+$0x9960] =	vst v9;
	v9 =	vld [tilespmem:s10+$0x1D50];
	v5 =	vmul.f32 $2.262741660e+01, v5  }
0x94: {  	[tilespmem:s10+$0x9970] =	vst v3;
	v3 =	vld [tilespmem:s10+$0x1D60];
	v6 =	vmul.f32 $2.262741660e+01, v6  }
0x95: {  	[tilespmem:s10+$0x9D00] =	vst v5;
	v5 =	vld [tilespmem:s10+$0x1D70];
	v7 =	vmul.f32 $2.262741660e+01, v7  }
0x96: {  	[tilespmem:s10+$0x9D10] =	vst v6;
	v6 =	vld [tilespmem:s10+$0x2100];
	v8 =	vmul.f32 $2.262741660e+01, v8  }
0x97: {  	[tilespmem:s10+$0x9D20] =	vst v7;
	v7 =	vld [tilespmem:s10+$0x2110];
	v4 =	vmul.f32 $2.262741660e+01, v4  }
0x98: {  	[tilespmem:s10+$0x9D30] =	vst v8;
	v8 =	vld [tilespmem:s10+$0x2120];
	v9 =	vmul.f32 $2.262741660e+01, v9  }
0x99: {  	v11 =	vld [tilespmem:s10+$0x2130];
	[tilespmem:s10+$0x9D40] =	vst v4;
	v3 =	vmul.f32 $2.262741660e+01, v3  }
0x9a: {  	[tilespmem:s10+$0x9D50] =	vst v9;
	v9 =	vld [tilespmem:s10+$0x2140];
	v4 =	vmul.f32 $2.262741660e+01, v5  }
0x9b: {  	[tilespmem:s10+$0x9D60] =	vst v3;
	v3 =	vld [tilespmem:s10+$0x2150];
	v5 =	vmul.f32 $2.262741660e+01, v6  }
0x9c: {  	v6 =	vld [tilespmem:s10+$0x2160];
	[tilespmem:s10+$0x9D70] =	vst v4;
	v4 =	vmul.f32 $2.262741660e+01, v7  }
0x9d: {  	v12 =	vld [tilespmem:s10+$0x2170];
	[tilespmem:s10+$0xA100] =	vst v5;
	v5 =	vmul.f32 $2.262741660e+01, v8  }
0x9e: {  	v7 =	vld [tilespmem:s10+$0x2510];
	v8 =	vmul.f32 $2.262741660e+01, v11;
	[tilespmem:s10+$0xA110] =	vst v4  }
0x9f: {  	v4 =	vld [tilespmem:s10+$0x2500];
	[tilespmem:s10+$0xA120] =	vst v5;
	v5 =	vmul.f32 $2.262741660e+01, v9  }
0xa0: {  	[tilespmem:s10+$0xA130] =	vst v8;
	v8 =	vld [tilespmem:s10+$0x2520];
	v3 =	vmul.f32 $2.262741660e+01, v3  }
0xa1: {  	v9 =	vmul.f32 $2.262741660e+01, v6;
	[tilespmem:s10+$0xA140] =	vst v5;
	v5 =	vld [tilespmem:s10+$0x2530]  }
0xa2: {  	s11 =	simm.s32 $0x400;
	s5 =	simm.s32 $0x100;
	v6 =	vld [tilespmem:s10+$0x2540];
	[tilespmem:s10+$0xA150] =	vst v3;
	v3 =	vmul.f32 $2.262741660e+01, v10;
	v10 =	vmul.f32 $2.262741660e+01, v12  }
0xa3: {  	s12 =	sand.u32 $0x3000, s11;
	s11 =	simm.s32 $0x600;
	s13 =	sand.u32 $0x380, s5;
	[tilespmem:s10+$0xA160] =	vst v9;
	v9 =	vld [tilespmem:s10+$0x2550]  }
.LBB2_3:
0xa4: {  	p1 =	sne.s32 s11, $0x3E00;
	s12 =	sor.u32 s13, s12;
	[tilespmem:s10+$0xA170] =	vst v10;
	v4 =	vmul.f32 $2.262741660e+01, v4;
	v7 =	vmul.f32 $2.262741660e+01, v7;
	v10 =	vld [tilespmem:s10+$0x2560]  }
0xa5: {  	v11 =	vld [tilespmem:s12+$0x2570];
	v8 =	vmul.f32 $2.262741660e+01, v8;
	[tilespmem:s0+$0xA560] =	vst v3;
	s0 =	smov.u32 s10;
	s10 =	smov.u32 s12  }
0xa6: {  	v12 =	vld [tilespmem:s10+$0x1900];
	[tilespmem:s0+$0xA500] =	vst v4;
	v3 =	vmul.f32 $2.262741660e+01, v5  }
0xa7: {  	v4 =	vld [tilespmem:s10+$0x1910];
	[tilespmem:s0+$0xA510] =	vst v7;
	v5 =	vmul.f32 $2.262741660e+01, v6  }
0xa8: {  	v6 =	vld [tilespmem:s10+$0x1920];
	[tilespmem:s0+$0xA520] =	vst v8;
	v7 =	vmul.f32 $2.262741660e+01, v9  }
0xa9: {  	v8 =	vld [tilespmem:s10+$0x1930];
	[tilespmem:s0+$0xA530] =	vst v3;
	v3 =	vmul.f32 $2.262741660e+01, v10  }
0xaa: {  	v9 =	vld [tilespmem:s10+$0x1940];
	v10 =	vmul.f32 $2.262741660e+01, v11;
	[tilespmem:s0+$0xA540] =	vst v5  }
0xab: {  	v5 =	vmul.f32 $2.262741660e+01, v12;
	v11 =	vld [tilespmem:s10+$0x1950];
	[tilespmem:s0+$0xA550] =	vst v7  }
0xac: {  	v4 =	vmul.f32 $2.262741660e+01, v4;
	v7 =	vld [tilespmem:s10+$0x1960];
	[tilespmem:s10+$0xA570] =	vst v10  }
0xad: {  	[tilespmem:s10+$0x9900] =	vst v5;
	v5 =	vmul.f32 $2.262741660e+01, v6;
	v6 =	vld [tilespmem:s10+$0x1970]  }
0xae: {  	[tilespmem:s10+$0x9910] =	vst v4;
	v4 =	vmul.f32 $2.262741660e+01, v8;
	v8 =	vld [tilespmem:s10+$0x1D00]  }
0xaf: {  	[tilespmem:s10+$0x9920] =	vst v5;
	v5 =	vmul.f32 $2.262741660e+01, v9;
	v9 =	vld [tilespmem:s10+$0x1D10]  }
0xb0: {  	[tilespmem:s10+$0x9930] =	vst v4;
	v4 =	vmul.f32 $2.262741660e+01, v11;
	v10 =	vld [tilespmem:s10+$0x1D20]  }
0xb1: {  	[tilespmem:s10+$0x9940] =	vst v5;
	v5 =	vmul.f32 $2.262741660e+01, v7;
	v7 =	vld [tilespmem:s10+$0x1D30]  }
0xb2: {  	[tilespmem:s10+$0x9950] =	vst v4;
	v4 =	vmul.f32 $2.262741660e+01, v6;
	v6 =	vld [tilespmem:s10+$0x1D40]  }
0xb3: {  	[tilespmem:s10+$0x9960] =	vst v5;
	v5 =	vmul.f32 $2.262741660e+01, v8;
	v8 =	vld [tilespmem:s10+$0x1D50]  }
0xb4: {  	[tilespmem:s10+$0x9970] =	vst v4;
	v4 =	vmul.f32 $2.262741660e+01, v9;
	v9 =	vld [tilespmem:s10+$0x1D60]  }
0xb5: {  	[tilespmem:s10+$0x9D00] =	vst v5;
	v5 =	vmul.f32 $2.262741660e+01, v10;
	v10 =	vld [tilespmem:s10+$0x1D70]  }
0xb6: {  	[tilespmem:s10+$0x9D10] =	vst v4;
	v4 =	vmul.f32 $2.262741660e+01, v7;
	v7 =	vld [tilespmem:s10+$0x2100]  }
0xb7: {  	[tilespmem:s10+$0x9D20] =	vst v5;
	v5 =	vmul.f32 $2.262741660e+01, v6;
	v6 =	vld [tilespmem:s10+$0x2110]  }
0xb8: {  	[tilespmem:s10+$0x9D30] =	vst v4;
	v4 =	vmul.f32 $2.262741660e+01, v8;
	v8 =	vld [tilespmem:s10+$0x2120]  }
0xb9: {  	[tilespmem:s10+$0x9D40] =	vst v5;
	v5 =	vmul.f32 $2.262741660e+01, v9;
	v9 =	vld [tilespmem:s10+$0x2130]  }
0xba: {  	[tilespmem:s10+$0x9D50] =	vst v4;
	v4 =	vmul.f32 $2.262741660e+01, v10;
	v10 =	vld [tilespmem:s10+$0x2140]  }
0xbb: {  	[tilespmem:s10+$0x9D60] =	vst v5;
	v5 =	vmul.f32 $2.262741660e+01, v7;
	v11 =	vld [tilespmem:s10+$0x2150]  }
0xbc: {  	[tilespmem:s10+$0x9D70] =	vst v4;
	v4 =	vmul.f32 $2.262741660e+01, v6;
	v6 =	vld [tilespmem:s10+$0x2160]  }
0xbd: {  	[tilespmem:s10+$0xA100] =	vst v5;
	v5 =	vmul.f32 $2.262741660e+01, v8;
	v12 =	vld [tilespmem:s10+$0x2170]  }
0xbe: {  	[tilespmem:s10+$0xA110] =	vst v4;
	v8 =	vmul.f32 $2.262741660e+01, v9;
	v4 =	vld [tilespmem:s10+$0x2500]  }
.Ltmp2:
0xbf: {  	[tilespmem:s10+$0xA120] =	vst v5;
	v5 =	vmul.f32 $2.262741660e+01, v10;
	v7 =	vld [tilespmem:s10+$0x2510];
	(pc) =	sbr.rel @p1 .LBB2_3-.Ltmp2, $4  }
0xc0: {  	[tilespmem:s10+$0xA130] =	vst v8;
	v9 =	vmul.f32 $2.262741660e+01, v11;
	v8 =	vld [tilespmem:s10+$0x2520]  }
0xc1: {  	[tilespmem:s10+$0xA140] =	vst v5;
	v11 =	vmul.f32 $2.262741660e+01, v6;
	v5 =	vld [tilespmem:s10+$0x2530]  }
0xc2: {  	s5 =	sadd.s32 $0x80, s5;
	[tilespmem:s10+$0xA150] =	vst v9;
	v10 =	vmul.f32 $2.262741660e+01, v12;
	v6 =	vld [tilespmem:s10+$0x2540]  }
0xc3: {  	s12 =	sand.u32 $0x3000, s11;
	s13 =	sand.u32 $0x380, s5;
	s11 =	sadd.s32 $0x200, s11;
	[tilespmem:s10+$0xA160] =	vst v11;
	v9 =	vld [tilespmem:s10+$0x2550]  }
0xc4: {  	[tilespmem:s10+$0xA170] =	vst v10;
	s5 =	sor.u32 s13, s12;
	v23 =	vld [tilespmem:s10+$0x2560];
	v4 =	vmul.f32 $2.262741660e+01, v4  }
0xc5: {  	v7 =	vmul.f32 $2.262741660e+01, v7;
	v11 =	vld [tilespmem:s5+$0x2570];
	[tilespmem:s0+$0xA560] =	vst v3  }
0xc6: {  	v8 =	vmul.f32 $2.262741660e+01, v8;
	v3 =	vld [tilespmem:s5+$0x1900];
	[tilespmem:s10+$0xA500] =	vst v4  }
0xc7: {  	v5 =	vmul.f32 $2.262741660e+01, v5;
	v4 =	vld [tilespmem:s5+$0x1910];
	[tilespmem:s10+$0xA510] =	vst v7  }
0xc8: {  	v6 =	vmul.f32 $2.262741660e+01, v6;
	v7 =	vld [tilespmem:s5+$0x1920];
	[tilespmem:s10+$0xA520] =	vst v8  }
0xc9: {  	v9 =	vmul.f32 $2.262741660e+01, v9;
	v8 =	vld [tilespmem:s5+$0x1930];
	[tilespmem:s10+$0xA530] =	vst v5  }
0xca: {  	v5 =	vld [tilespmem:s5+$0x1940];
	[tilespmem:s10+$0xA540] =	vst v6;
	v24 =	vmul.f32 $2.262741660e+01, v11  }
0xcb: {  	v25 =	vld [tilespmem:s5+$0x1950];
	v3 =	vmul.f32 $2.262741660e+01, v3;
	[tilespmem:s10+$0xA550] =	vst v9  }
0xcc: {  	v4 =	vmul.f32 $2.262741660e+01, v4;
	v9 =	vld [tilespmem:s5+$0x1960];
	[tilespmem:s5+$0xA570] =	vst v24  }
0xcd: {  	v26 =	vld [tilespmem:s5+$0x1970];
	[tilespmem:s5+$0x9900] =	vst v3;
	v3 =	vmul.f32 $2.262741660e+01, v7  }
0xce: {  	v29 =	vld [tilespmem:s5+$0x1D10];
	[tilespmem:s5+$0x9910] =	vst v4;
	v27 =	vmul.f32 $2.262741660e+01, v8  }
0xcf: {  	v32 =	vld [tilespmem:s5+$0x1D30];
	[tilespmem:s5+$0x9920] =	vst v3;
	v3 =	vmul.f32 $2.262741660e+01, v5  }
0xd0: {  	v28 =	vld [tilespmem:s5+$0x1D00];
	[tilespmem:s5+$0x9930] =	vst v27;
	v30 =	vmul.f32 $2.262741660e+01, v25  }
0xd1: {  	v35 =	vld [tilespmem:s5+$0x1D50];
	[tilespmem:s5+$0x9940] =	vst v3;
	v3 =	vmul.f32 $2.262741660e+01, v9  }
0xd2: {  	v31 =	vld [tilespmem:s5+$0x1D20];
	v33 =	vmul.f32 $2.262741660e+01, v26;
	[tilespmem:s5+$0x9950] =	vst v30  }
0xd3: {  	v38 =	vld [tilespmem:s5+$0x1D70];
	v36 =	vmul.f32 $2.262741660e+01, v29;
	[tilespmem:s5+$0x9960] =	vst v3  }
0xd4: {  	v34 =	vld [tilespmem:s5+$0x1D40];
	v39 =	vmul.f32 $2.262741660e+01, v32;
	[tilespmem:s5+$0x9970] =	vst v33  }
0xd5: {  	v41 =	vld [tilespmem:s5+$0x2110];
	v3 =	vmul.f32 $2.262741660e+01, v28;
	[tilespmem:s5+$0x9D10] =	vst v36  }
0xd6: {  	v37 =	vld [tilespmem:s5+$0x1D60];
	v42 =	vmul.f32 $2.262741660e+01, v35;
	[tilespmem:s5+$0x9D30] =	vst v39  }
0xd7: {  	v44 =	vld [tilespmem:s5+$0x2130];
	[tilespmem:s5+$0x9D00] =	vst v3;
	v3 =	vmul.f32 $2.262741660e+01, v31  }
0xd8: {  	v40 =	vld [tilespmem:s5+$0x2100];
	v45 =	vmul.f32 $2.262741660e+01, v38;
	[tilespmem:s5+$0x9D50] =	vst v42  }
0xd9: {  	v47 =	vld [tilespmem:s5+$0x2150];
	[tilespmem:s5+$0x9D20] =	vst v3;
	v3 =	vmul.f32 $2.262741660e+01, v34  }
0xda: {  	v43 =	vld [tilespmem:s5+$0x2120];
	v48 =	vmul.f32 $2.262741660e+01, v41;
	[tilespmem:s5+$0x9D70] =	vst v45  }
0xdb: {  	v50 =	vld [tilespmem:s5+$0x2170];
	[tilespmem:s5+$0x9D40] =	vst v3;
	v3 =	vmul.f32 $2.262741660e+01, v37  }
0xdc: {  	v46 =	vld [tilespmem:s5+$0x2140];
	v51 =	vmul.f32 $2.262741660e+01, v44;
	[tilespmem:s5+$0xA110] =	vst v48  }
0xdd: {  	v52 =	vld [tilespmem:s5+$0x2500];
	[tilespmem:s5+$0x9D60] =	vst v3;
	v3 =	vmul.f32 $2.262741660e+01, v40  }
0xde: {  	v49 =	vld [tilespmem:s5+$0x2160];
	v54 =	vmul.f32 $2.262741660e+01, v47;
	[tilespmem:s5+$0xA130] =	vst v51  }
0xdf: {  	v53 =	vld [tilespmem:s5+$0x2510];
	[tilespmem:s5+$0xA100] =	vst v3;
	v3 =	vmul.f32 $2.262741660e+01, v43  }
0xe0: {  	v55 =	vld [tilespmem:s5+$0x2520];
	v57 =	vmul.f32 $2.262741660e+01, v50;
	[tilespmem:s5+$0xA150] =	vst v54  }
0xe1: {  	[tilespmem:s5+$0xA120] =	vst v3;
	v3 =	vmul.f32 $2.262741660e+01, v46  }
0xe2: {  	v56 =	vld [tilespmem:s5+$0x2530];
	v59 =	vmul.f32 $2.262741660e+01, v52;
	[tilespmem:s5+$0xA170] =	vst v57  }
0xe3: {  	v58 =	vld [tilespmem:s5+$0x2540];
	[tilespmem:s5+$0xA140] =	vst v3;
	v3 =	vmul.f32 $2.262741660e+01, v49  }
0xe4: {  	v60 =	vld [tilespmem:s5+$0x2560];
	v8 =	vmul.f32 $2.262741660e+01, v53;
	[tilespmem:s5+$0xA500] =	vst v59  }
0xe5: {  	v9 =	vmul.f32 $2.262741660e+01, v55;
	[tilespmem:s5+$0xA160] =	vst v3;
	v3 =	vld [tilespmem:s5+$0x2550]  }
0xe6: {  	v10 =	vmul.f32 $2.262741660e+01, v23;
	[tilespmem:s5+$0xA510] =	vst v8  }
0xe7: {  	v61 =	vmul.f32 $2.262741660e+01, v56;
	[tilespmem:s5+$0xA520] =	vst v9  }
0xe8: {  	p1 =	sne.s32 s8, $0x63;
	v62 =	vmul.f32 $2.262741660e+01, v58;
	[tilespmem:s10+$0xA560] =	vst v10  }
.Ltmp3:
0xe9: {  	s13 =	sshll.u32 s8, $0xF;
	v63 =	vmul.f32 $2.262741660e+01, v60;
	[tilespmem:s5+$0xA530] =	vst v61;
	(pc) =	sbr.rel @p1 .LBB2_6-.Ltmp3, $4  }
0xea: {  	s0 =	sadd.s32 s7, s13;
	[tilespmem:s5+$0xA540] =	vst v62;
	v3 =	vmul.f32 $2.262741660e+01, v3  }
0xeb: {  	s0 =	sshrl.u32 s0, $0x3;
	[tilespmem:s5+$0xA560] =	vst v63  }
0xec: {  	s0 =	sadd.s32 s3, s0;
	[tilespmem:s5+$0xA550] =	vst v3  }
0xed: {  	[hbm4b:s0+s4] =	stream.linear.scatter [tilespmem:s29], [sflag:$0x3], $0x4000, $0x38;
	[tilespmem:$0x11900] =	vst v63  }
.Ltmp4:
0xee: {  	(pc) =	sbr.rel .LBB2_7-.Ltmp4, $4  }
0xef: {  	_ = 	snop  }
0xf0: {  	_ =	swait.ge [sflag:s30], $0x4000  }
0xf1: {  	[sflag:s30] =	ssyncset.done $0x0  }
0xf2: {  	[sflag:s30] =	ssyncadd.s32 $0xFFFFC000  }
.LBB2_6:
0xf3: {  	s0 =	sshll.u32 s8, $0x6  }
0xf4: {  	s0 =	sand.u32 $0x3FFFFFC0, s0  }
0xf5: {  	v3 =	vld [tilespmem:s0+$0x40];
	_ =	sdelay $0x4  }
0xf6: {  	v4 =	vshll.u32 v3, $0x2  }
0xf7: {  	v3 =	vand.u32 $0x7, v3;
	v4 =	vand.u32 $0xFFFFFFE0, v4  }
0xf8: {  	v3 =	vor.u32 v3, v4  }
0xf9: {  	v4 =	vperm.xlane v3, v0;
	_ =	sdelay $0x1  }
0xfa: {  	v4 =	vadd.s32 v1, v4;
	_ =	sdelay $0x1  }
0xfb: {  	v3 =	vperm.xlane v3, v2;
	_ =	sdelay $0x1  }
0xfc: {  	s5 =	simm.s32 $0x1900;
	v3 =	vadd.s32 v1, v3  }
0xfd: {  	[tilespmem:s5], [sflag:$0x1] =	stream.indirect_vreg.gather [hbm4b:s1+s4], $0x80, v4, vm0, $0xb8;
	[tilespmem:$0x11900] =	vst v63  }
0xfe: {  	s12 =	simm.s32 $0x2100  }
0xff: {  	[tilespmem:s12], [sflag:$0x1] =	stream.indirect_vreg.gather [hbm4b:s6+s4], $0x80, v4, vm0, $0xb8;
	[tilespmem:$0x11900] =	vst v63  }
0x100: {  	s13 =	simm.s32 $0x2900  }
0x101: {  	[tilespmem:s13], [sflag:$0x1] =	stream.indirect_vreg.gather [hbm4b:s1+s4], $0x80, v3, vm0, $0xb8;
	[tilespmem:$0x11900] =	vst v63  }
0x102: {  	_ = 	snop  }
0x103: {  	[tilespmem:s14], [sflag:$0x1] =	stream.indirect_vreg.gather [hbm4b:s6+s4], $0x80, v3, vm0, $0xb8;
	[tilespmem:$0x11900] =	vst v63  }
0x104: {  	v3 =	vld [tilespmem:s0+$0x50];
	_ =	sdelay $0x4  }
0x105: {  	v63 =	vshll.u32 v3, $0x2  }
0x106: {  	v3 =	vand.u32 $0x7, v3;
	v4 =	vand.u32 $0xFFFFFFE0, v63  }
0x107: {  	v3 =	vor.u32 v3, v4  }
0x108: {  	v4 =	vperm.xlane v3, v0;
	_ =	sdelay $0x1  }
0x109: {  	v4 =	vadd.s32 v1, v4;
	_ =	sdelay $0x1  }
0x10a: {  	v3 =	vperm.xlane v3, v2;
	_ =	sdelay $0x1  }
0x10b: {  	v3 =	vadd.s32 v1, v3  }
0x10c: {  	[tilespmem:s15], [sflag:$0x1] =	stream.indirect_vreg.gather [hbm4b:s1+s4], $0x80, v4, vm0, $0xb8;
	[tilespmem:$0x11900] =	vst v63  }
0x10d: {  	_ = 	snop  }
0x10e: {  	[tilespmem:s16], [sflag:$0x1] =	stream.indirect_vreg.gather [hbm4b:s6+s4], $0x80, v4, vm0, $0xb8;
	[tilespmem:$0x11900] =	vst v63  }
0x10f: {  	_ = 	snop  }
0x110: {  	[tilespmem:s17], [sflag:$0x1] =	stream.indirect_vreg.gather [hbm4b:s1+s4], $0x80, v3, vm0, $0xb8;
	[tilespmem:$0x11900] =	vst v63  }
.Ltmp5:
0x111: {  	_ = 	snop;
	(pc) =	sbr.rel @p0 .LBB2_8-.Ltmp5, $4  }
0x112: {  	[tilespmem:s18], [sflag:$0x1] =	stream.indirect_vreg.gather [hbm4b:s6+s4], $0x80, v3, vm0, $0xb8;
	[tilespmem:$0x11900] =	vst v63  }
0x113: {  	_ =	swait.ge [sflag:s30], $0x4000  }
0x114: {  	[sflag:s30] =	ssyncset.done $0x0  }
0x115: {  	[sflag:s30] =	ssyncadd.s32 $0xFFFFC000  }
.LBB2_7:
0x116: {  	_ =	swait.ge [sflag:s31], $0x4000  }
0x117: {  	[sflag:s31] =	ssyncset.done $0x0  }
0x118: {  	[sflag:s31] =	ssyncadd.s32 $0xFFFFC000  }
.LBB2_8:
0x119: {  	s0 =	simm.s32 $0x0  }
0x11a: {  	s5 =	sand.u32 $0x3000, s0;
	s0 =	sand.u32 $0x380, s0  }
0x11b: {  	s0 =	sor.u32 s0, s5  }
0x11c: {  	v3 =	vld [tilespmem:s0+$0x6570]  }
0x11d: {  	v4 =	vld [tilespmem:s0+$0x5900]  }
0x11e: {  	v5 =	vld [tilespmem:s0+$0x5910]  }
0x11f: {  	v6 =	vld [tilespmem:s0+$0x5920]  }
0x120: {  	v7 =	vld [tilespmem:s0+$0x5930]  }
0x121: {  	v8 =	vld [tilespmem:s0+$0x5940];
	v3 =	vmul.f32 $2.262741660e+01, v3  }
0x122: {  	v9 =	vld [tilespmem:s0+$0x5950];
	v4 =	vmul.f32 $2.262741660e+01, v4  }
0x123: {  	v10 =	vld [tilespmem:s0+$0x5960];
	[tilespmem:s0+$0xE570] =	vst v3;
	v3 =	vmul.f32 $2.262741660e+01, v5  }
0x124: {  	[tilespmem:s0+$0xD900] =	vst v4;
	v4 =	vld [tilespmem:s0+$0x5970];
	v5 =	vmul.f32 $2.262741660e+01, v6  }
0x125: {  	v6 =	vmul.f32 $2.262741660e+01, v7;
	[tilespmem:s0+$0xD910] =	vst v3;
	v3 =	vld [tilespmem:s0+$0x5D00]  }
0x126: {  	v7 =	vmul.f32 $2.262741660e+01, v8;
	[tilespmem:s0+$0xD920] =	vst v5;
	v5 =	vld [tilespmem:s0+$0x5D10]  }
0x127: {  	v8 =	vmul.f32 $2.262741660e+01, v9;
	[tilespmem:s0+$0xD930] =	vst v6;
	v6 =	vld [tilespmem:s0+$0x5D20]  }
0x128: {  	v9 =	vmul.f32 $2.262741660e+01, v10;
	[tilespmem:s0+$0xD940] =	vst v7;
	v7 =	vld [tilespmem:s0+$0x5D30]  }
0x129: {  	[tilespmem:s0+$0xD950] =	vst v8;
	v8 =	vld [tilespmem:s0+$0x5D40];
	v4 =	vmul.f32 $2.262741660e+01, v4  }
0x12a: {  	[tilespmem:s0+$0xD960] =	vst v9;
	v9 =	vld [tilespmem:s0+$0x5D50];
	v3 =	vmul.f32 $2.262741660e+01, v3  }
0x12b: {  	[tilespmem:s0+$0xD970] =	vst v4;
	v4 =	vld [tilespmem:s0+$0x5D60];
	v5 =	vmul.f32 $2.262741660e+01, v5  }
0x12c: {  	v6 =	vmul.f32 $2.262741660e+01, v6;
	[tilespmem:s0+$0xDD00] =	vst v3;
	v3 =	vld [tilespmem:s0+$0x5D70]  }
0x12d: {  	v7 =	vmul.f32 $2.262741660e+01, v7;
	[tilespmem:s0+$0xDD10] =	vst v5;
	v5 =	vld [tilespmem:s0+$0x6100]  }
0x12e: {  	v8 =	vmul.f32 $2.262741660e+01, v8;
	[tilespmem:s0+$0xDD20] =	vst v6;
	v6 =	vld [tilespmem:s0+$0x6110]  }
0x12f: {  	v9 =	vmul.f32 $2.262741660e+01, v9;
	[tilespmem:s0+$0xDD30] =	vst v7;
	v7 =	vld [tilespmem:s0+$0x6120]  }
0x130: {  	[tilespmem:s0+$0xDD40] =	vst v8;
	v8 =	vld [tilespmem:s0+$0x6130];
	v4 =	vmul.f32 $2.262741660e+01, v4  }
0x131: {  	[tilespmem:s0+$0xDD50] =	vst v9;
	v9 =	vld [tilespmem:s0+$0x6140];
	v3 =	vmul.f32 $2.262741660e+01, v3  }
0x132: {  	[tilespmem:s0+$0xDD60] =	vst v4;
	v4 =	vld [tilespmem:s0+$0x6150];
	v5 =	vmul.f32 $2.262741660e+01, v5  }
0x133: {  	v6 =	vmul.f32 $2.262741660e+01, v6;
	[tilespmem:s0+$0xDD70] =	vst v3;
	v3 =	vld [tilespmem:s0+$0x6160]  }
0x134: {  	v7 =	vmul.f32 $2.262741660e+01, v7;
	[tilespmem:s0+$0xE100] =	vst v5;
	v5 =	vld [tilespmem:s0+$0x6170]  }
0x135: {  	v10 =	vld [tilespmem:s0+$0x6560];
	v8 =	vmul.f32 $2.262741660e+01, v8;
	[tilespmem:s0+$0xE110] =	vst v6  }
0x136: {  	v9 =	vmul.f32 $2.262741660e+01, v9;
	v6 =	vld [tilespmem:s0+$0x6500];
	[tilespmem:s0+$0xE120] =	vst v7  }
0x137: {  	v7 =	vld [tilespmem:s0+$0x6510];
	[tilespmem:s0+$0xE130] =	vst v8;
	v4 =	vmul.f32 $2.262741660e+01, v4  }
0x138: {  	v8 =	vld [tilespmem:s0+$0x6520];
	[tilespmem:s0+$0xE140] =	vst v9;
	v3 =	vmul.f32 $2.262741660e+01, v3  }
0x139: {  	s13 =	simm.s32 $0x200;
	s10 =	simm.s32 $0x80;
	v9 =	vld [tilespmem:s0+$0x6530];
	[tilespmem:s0+$0xE150] =	vst v4;
	v5 =	vmul.f32 $2.262741660e+01, v5  }
0x13a: {  	s10 =	sand.u32 $0x380, s10;
	s5 =	sand.u32 $0x3000, s13;
	v4 =	vld [tilespmem:s0+$0x6540];
	[tilespmem:s0+$0xE160] =	vst v3  }
0x13b: {  	s10 =	sor.u32 s10, s5;
	v3 =	vld [tilespmem:s0+$0x6550];
	[tilespmem:s0+$0xE170] =	vst v5;
	v5 =	vmul.f32 $2.262741660e+01, v6  }
0x13c: {  	v7 =	vmul.f32 $2.262741660e+01, v7;
	v6 =	vld [tilespmem:s10+$0x6570]  }
0x13d: {  	v8 =	vmul.f32 $2.262741660e+01, v8;
	v11 =	vld [tilespmem:s10+$0x5900];
	[tilespmem:s0+$0xE500] =	vst v5  }
0x13e: {  	v9 =	vmul.f32 $2.262741660e+01, v9;
	v5 =	vld [tilespmem:s10+$0x5910];
	[tilespmem:s0+$0xE510] =	vst v7  }
0x13f: {  	v4 =	vmul.f32 $2.262741660e+01, v4;
	v7 =	vld [tilespmem:s10+$0x5920];
	[tilespmem:s0+$0xE520] =	vst v8  }
0x140: {  	v8 =	vld [tilespmem:s10+$0x5930];
	[tilespmem:s0+$0xE530] =	vst v9;
	v3 =	vmul.f32 $2.262741660e+01, v3  }
0x141: {  	v9 =	vld [tilespmem:s10+$0x5940];
	[tilespmem:s0+$0xE540] =	vst v4;
	v6 =	vmul.f32 $2.262741660e+01, v6  }
0x142: {  	v4 =	vld [tilespmem:s10+$0x5950];
	[tilespmem:s0+$0xE550] =	vst v3;
	v3 =	vmul.f32 $2.262741660e+01, v11  }
0x143: {  	v11 =	vld [tilespmem:s10+$0x5960];
	[tilespmem:s10+$0xE570] =	vst v6;
	v5 =	vmul.f32 $2.262741660e+01, v5  }
0x144: {  	[tilespmem:s10+$0xD900] =	vst v3;
	v3 =	vld [tilespmem:s10+$0x5970];
	v6 =	vmul.f32 $2.262741660e+01, v7  }
0x145: {  	[tilespmem:s10+$0xD910] =	vst v5;
	v5 =	vld [tilespmem:s10+$0x5D00];
	v7 =	vmul.f32 $2.262741660e+01, v8  }
0x146: {  	[tilespmem:s10+$0xD920] =	vst v6;
	v6 =	vld [tilespmem:s10+$0x5D10];
	v8 =	vmul.f32 $2.262741660e+01, v9  }
0x147: {  	[tilespmem:s10+$0xD930] =	vst v7;
	v7 =	vld [tilespmem:s10+$0x5D20];
	v4 =	vmul.f32 $2.262741660e+01, v4  }
0x148: {  	[tilespmem:s10+$0xD940] =	vst v8;
	v8 =	vld [tilespmem:s10+$0x5D30];
	v9 =	vmul.f32 $2.262741660e+01, v11  }
0x149: {  	[tilespmem:s10+$0xD950] =	vst v4;
	v4 =	vld [tilespmem:s10+$0x5D40];
	v3 =	vmul.f32 $2.262741660e+01, v3  }
0x14a: {  	[tilespmem:s10+$0xD960] =	vst v9;
	v9 =	vld [tilespmem:s10+$0x5D50];
	v5 =	vmul.f32 $2.262741660e+01, v5  }
0x14b: {  	[tilespmem:s10+$0xD970] =	vst v3;
	v3 =	vld [tilespmem:s10+$0x5D60];
	v6 =	vmul.f32 $2.262741660e+01, v6  }
0x14c: {  	[tilespmem:s10+$0xDD00] =	vst v5;
	v5 =	vld [tilespmem:s10+$0x5D70];
	v7 =	vmul.f32 $2.262741660e+01, v7  }
0x14d: {  	[tilespmem:s10+$0xDD10] =	vst v6;
	v6 =	vld [tilespmem:s10+$0x6100];
	v8 =	vmul.f32 $2.262741660e+01, v8  }
0x14e: {  	[tilespmem:s10+$0xDD20] =	vst v7;
	v7 =	vld [tilespmem:s10+$0x6110];
	v4 =	vmul.f32 $2.262741660e+01, v4  }
0x14f: {  	[tilespmem:s10+$0xDD30] =	vst v8;
	v8 =	vld [tilespmem:s10+$0x6120];
	v9 =	vmul.f32 $2.262741660e+01, v9  }
0x150: {  	v11 =	vld [tilespmem:s10+$0x6130];
	[tilespmem:s10+$0xDD40] =	vst v4;
	v3 =	vmul.f32 $2.262741660e+01, v3  }
0x151: {  	[tilespmem:s10+$0xDD50] =	vst v9;
	v9 =	vld [tilespmem:s10+$0x6140];
	v4 =	vmul.f32 $2.262741660e+01, v5  }
0x152: {  	[tilespmem:s10+$0xDD60] =	vst v3;
	v3 =	vld [tilespmem:s10+$0x6150];
	v5 =	vmul.f32 $2.262741660e+01, v6  }
0x153: {  	v6 =	vld [tilespmem:s10+$0x6160];
	[tilespmem:s10+$0xDD70] =	vst v4;
	v4 =	vmul.f32 $2.262741660e+01, v7  }
0x154: {  	v12 =	vld [tilespmem:s10+$0x6170];
	[tilespmem:s10+$0xE100] =	vst v5;
	v5 =	vmul.f32 $2.262741660e+01, v8  }
0x155: {  	v7 =	vld [tilespmem:s10+$0x6510];
	v8 =	vmul.f32 $2.262741660e+01, v11;
	[tilespmem:s10+$0xE110] =	vst v4  }
0x156: {  	v4 =	vld [tilespmem:s10+$0x6500];
	[tilespmem:s10+$0xE120] =	vst v5;
	v5 =	vmul.f32 $2.262741660e+01, v9  }
0x157: {  	[tilespmem:s10+$0xE130] =	vst v8;
	v8 =	vld [tilespmem:s10+$0x6520];
	v3 =	vmul.f32 $2.262741660e+01, v3  }
0x158: {  	v9 =	vmul.f32 $2.262741660e+01, v6;
	[tilespmem:s10+$0xE140] =	vst v5;
	v5 =	vld [tilespmem:s10+$0x6530]  }
0x159: {  	s11 =	simm.s32 $0x400;
	s5 =	simm.s32 $0x100;
	v6 =	vld [tilespmem:s10+$0x6540];
	[tilespmem:s10+$0xE150] =	vst v3;
	v3 =	vmul.f32 $2.262741660e+01, v10;
	v10 =	vmul.f32 $2.262741660e+01, v12  }
0x15a: {  	s12 =	sand.u32 $0x3000, s11;
	s11 =	simm.s32 $0x600;
	s13 =	sand.u32 $0x380, s5;
	[tilespmem:s10+$0xE160] =	vst v9;
	v9 =	vld [tilespmem:s10+$0x6550]  }
.LBB2_9:
0x15b: {  	p0 =	sne.s32 s11, $0x3E00;
	s12 =	sor.u32 s13, s12;
	[tilespmem:s10+$0xE170] =	vst v10;
	v4 =	vmul.f32 $2.262741660e+01, v4;
	v7 =	vmul.f32 $2.262741660e+01, v7;
	v10 =	vld [tilespmem:s10+$0x6560]  }
0x15c: {  	v11 =	vld [tilespmem:s12+$0x6570];
	v8 =	vmul.f32 $2.262741660e+01, v8;
	[tilespmem:s0+$0xE560] =	vst v3;
	s0 =	smov.u32 s10;
	s10 =	smov.u32 s12  }
0x15d: {  	v12 =	vld [tilespmem:s10+$0x5900];
	[tilespmem:s0+$0xE500] =	vst v4;
	v3 =	vmul.f32 $2.262741660e+01, v5  }
0x15e: {  	v4 =	vld [tilespmem:s10+$0x5910];
	[tilespmem:s0+$0xE510] =	vst v7;
	v5 =	vmul.f32 $2.262741660e+01, v6  }
0x15f: {  	v6 =	vld [tilespmem:s10+$0x5920];
	[tilespmem:s0+$0xE520] =	vst v8;
	v7 =	vmul.f32 $2.262741660e+01, v9  }
0x160: {  	v8 =	vld [tilespmem:s10+$0x5930];
	[tilespmem:s0+$0xE530] =	vst v3;
	v3 =	vmul.f32 $2.262741660e+01, v10  }
0x161: {  	v9 =	vld [tilespmem:s10+$0x5940];
	v10 =	vmul.f32 $2.262741660e+01, v11;
	[tilespmem:s0+$0xE540] =	vst v5  }
0x162: {  	v5 =	vmul.f32 $2.262741660e+01, v12;
	v11 =	vld [tilespmem:s10+$0x5950];
	[tilespmem:s0+$0xE550] =	vst v7  }
0x163: {  	v4 =	vmul.f32 $2.262741660e+01, v4;
	v7 =	vld [tilespmem:s10+$0x5960];
	[tilespmem:s10+$0xE570] =	vst v10  }
0x164: {  	[tilespmem:s10+$0xD900] =	vst v5;
	v5 =	vmul.f32 $2.262741660e+01, v6;
	v6 =	vld [tilespmem:s10+$0x5970]  }
0x165: {  	[tilespmem:s10+$0xD910] =	vst v4;
	v4 =	vmul.f32 $2.262741660e+01, v8;
	v8 =	vld [tilespmem:s10+$0x5D00]  }
0x166: {  	[tilespmem:s10+$0xD920] =	vst v5;
	v5 =	vmul.f32 $2.262741660e+01, v9;
	v9 =	vld [tilespmem:s10+$0x5D10]  }
0x167: {  	[tilespmem:s10+$0xD930] =	vst v4;
	v4 =	vmul.f32 $2.262741660e+01, v11;
	v10 =	vld [tilespmem:s10+$0x5D20]  }
0x168: {  	[tilespmem:s10+$0xD940] =	vst v5;
	v5 =	vmul.f32 $2.262741660e+01, v7;
	v7 =	vld [tilespmem:s10+$0x5D30]  }
0x169: {  	[tilespmem:s10+$0xD950] =	vst v4;
	v4 =	vmul.f32 $2.262741660e+01, v6;
	v6 =	vld [tilespmem:s10+$0x5D40]  }
0x16a: {  	[tilespmem:s10+$0xD960] =	vst v5;
	v5 =	vmul.f32 $2.262741660e+01, v8;
	v8 =	vld [tilespmem:s10+$0x5D50]  }
0x16b: {  	[tilespmem:s10+$0xD970] =	vst v4;
	v4 =	vmul.f32 $2.262741660e+01, v9;
	v9 =	vld [tilespmem:s10+$0x5D60]  }
0x16c: {  	[tilespmem:s10+$0xDD00] =	vst v5;
	v5 =	vmul.f32 $2.262741660e+01, v10;
	v10 =	vld [tilespmem:s10+$0x5D70]  }
0x16d: {  	[tilespmem:s10+$0xDD10] =	vst v4;
	v4 =	vmul.f32 $2.262741660e+01, v7;
	v7 =	vld [tilespmem:s10+$0x6100]  }
0x16e: {  	[tilespmem:s10+$0xDD20] =	vst v5;
	v5 =	vmul.f32 $2.262741660e+01, v6;
	v6 =	vld [tilespmem:s10+$0x6110]  }
0x16f: {  	[tilespmem:s10+$0xDD30] =	vst v4;
	v4 =	vmul.f32 $2.262741660e+01, v8;
	v8 =	vld [tilespmem:s10+$0x6120]  }
0x170: {  	[tilespmem:s10+$0xDD40] =	vst v5;
	v5 =	vmul.f32 $2.262741660e+01, v9;
	v9 =	vld [tilespmem:s10+$0x6130]  }
0x171: {  	[tilespmem:s10+$0xDD50] =	vst v4;
	v4 =	vmul.f32 $2.262741660e+01, v10;
	v10 =	vld [tilespmem:s10+$0x6140]  }
0x172: {  	[tilespmem:s10+$0xDD60] =	vst v5;
	v5 =	vmul.f32 $2.262741660e+01, v7;
	v11 =	vld [tilespmem:s10+$0x6150]  }
0x173: {  	[tilespmem:s10+$0xDD70] =	vst v4;
	v4 =	vmul.f32 $2.262741660e+01, v6;
	v6 =	vld [tilespmem:s10+$0x6160]  }
0x174: {  	[tilespmem:s10+$0xE100] =	vst v5;
	v5 =	vmul.f32 $2.262741660e+01, v8;
	v12 =	vld [tilespmem:s10+$0x6170]  }
0x175: {  	[tilespmem:s10+$0xE110] =	vst v4;
	v8 =	vmul.f32 $2.262741660e+01, v9;
	v4 =	vld [tilespmem:s10+$0x6500]  }
.Ltmp6:
0x176: {  	[tilespmem:s10+$0xE120] =	vst v5;
	v5 =	vmul.f32 $2.262741660e+01, v10;
	v7 =	vld [tilespmem:s10+$0x6510];
	(pc) =	sbr.rel @p0 .LBB2_9-.Ltmp6, $4  }
0x177: {  	[tilespmem:s10+$0xE130] =	vst v8;
	v9 =	vmul.f32 $2.262741660e+01, v11;
	v8 =	vld [tilespmem:s10+$0x6520]  }
0x178: {  	[tilespmem:s10+$0xE140] =	vst v5;
	v11 =	vmul.f32 $2.262741660e+01, v6;
	v5 =	vld [tilespmem:s10+$0x6530]  }
0x179: {  	s5 =	sadd.s32 $0x80, s5;
	[tilespmem:s10+$0xE150] =	vst v9;
	v10 =	vmul.f32 $2.262741660e+01, v12;
	v6 =	vld [tilespmem:s10+$0x6540]  }
0x17a: {  	s12 =	sand.u32 $0x3000, s11;
	s13 =	sand.u32 $0x380, s5;
	s11 =	sadd.s32 $0x200, s11;
	[tilespmem:s10+$0xE160] =	vst v11;
	v9 =	vld [tilespmem:s10+$0x6550]  }
0x17b: {  	[tilespmem:s10+$0xE170] =	vst v10;
	s5 =	sor.u32 s13, s12;
	v23 =	vld [tilespmem:s10+$0x6560];
	v4 =	vmul.f32 $2.262741660e+01, v4  }
0x17c: {  	v7 =	vmul.f32 $2.262741660e+01, v7;
	v11 =	vld [tilespmem:s5+$0x6570];
	[tilespmem:s0+$0xE560] =	vst v3  }
0x17d: {  	v8 =	vmul.f32 $2.262741660e+01, v8;
	v3 =	vld [tilespmem:s5+$0x5900];
	[tilespmem:s10+$0xE500] =	vst v4  }
0x17e: {  	v5 =	vmul.f32 $2.262741660e+01, v5;
	v4 =	vld [tilespmem:s5+$0x5910];
	[tilespmem:s10+$0xE510] =	vst v7  }
0x17f: {  	v6 =	vmul.f32 $2.262741660e+01, v6;
	v7 =	vld [tilespmem:s5+$0x5920];
	[tilespmem:s10+$0xE520] =	vst v8  }
0x180: {  	v9 =	vmul.f32 $2.262741660e+01, v9;
	v8 =	vld [tilespmem:s5+$0x5930];
	[tilespmem:s10+$0xE530] =	vst v5  }
0x181: {  	v5 =	vld [tilespmem:s5+$0x5940];
	[tilespmem:s10+$0xE540] =	vst v6;
	v24 =	vmul.f32 $2.262741660e+01, v11  }
0x182: {  	v25 =	vld [tilespmem:s5+$0x5950];
	v3 =	vmul.f32 $2.262741660e+01, v3;
	[tilespmem:s10+$0xE550] =	vst v9  }
0x183: {  	v4 =	vmul.f32 $2.262741660e+01, v4;
	v9 =	vld [tilespmem:s5+$0x5960];
	[tilespmem:s5+$0xE570] =	vst v24  }
0x184: {  	v26 =	vld [tilespmem:s5+$0x5970];
	[tilespmem:s5+$0xD900] =	vst v3;
	v3 =	vmul.f32 $2.262741660e+01, v7  }
0x185: {  	v29 =	vld [tilespmem:s5+$0x5D10];
	[tilespmem:s5+$0xD910] =	vst v4;
	v27 =	vmul.f32 $2.262741660e+01, v8  }
0x186: {  	v32 =	vld [tilespmem:s5+$0x5D30];
	[tilespmem:s5+$0xD920] =	vst v3;
	v3 =	vmul.f32 $2.262741660e+01, v5  }
0x187: {  	v28 =	vld [tilespmem:s5+$0x5D00];
	[tilespmem:s5+$0xD930] =	vst v27;
	v30 =	vmul.f32 $2.262741660e+01, v25  }
0x188: {  	v35 =	vld [tilespmem:s5+$0x5D50];
	[tilespmem:s5+$0xD940] =	vst v3;
	v3 =	vmul.f32 $2.262741660e+01, v9  }
0x189: {  	v31 =	vld [tilespmem:s5+$0x5D20];
	v33 =	vmul.f32 $2.262741660e+01, v26;
	[tilespmem:s5+$0xD950] =	vst v30  }
0x18a: {  	v38 =	vld [tilespmem:s5+$0x5D70];
	v36 =	vmul.f32 $2.262741660e+01, v29;
	[tilespmem:s5+$0xD960] =	vst v3  }
0x18b: {  	v34 =	vld [tilespmem:s5+$0x5D40];
	v39 =	vmul.f32 $2.262741660e+01, v32;
	[tilespmem:s5+$0xD970] =	vst v33  }
0x18c: {  	v41 =	vld [tilespmem:s5+$0x6110];
	v3 =	vmul.f32 $2.262741660e+01, v28;
	[tilespmem:s5+$0xDD10] =	vst v36  }
0x18d: {  	v37 =	vld [tilespmem:s5+$0x5D60];
	v42 =	vmul.f32 $2.262741660e+01, v35;
	[tilespmem:s5+$0xDD30] =	vst v39  }
0x18e: {  	v44 =	vld [tilespmem:s5+$0x6130];
	[tilespmem:s5+$0xDD00] =	vst v3;
	v3 =	vmul.f32 $2.262741660e+01, v31  }
0x18f: {  	v40 =	vld [tilespmem:s5+$0x6100];
	v45 =	vmul.f32 $2.262741660e+01, v38;
	[tilespmem:s5+$0xDD50] =	vst v42  }
0x190: {  	v47 =	vld [tilespmem:s5+$0x6150];
	[tilespmem:s5+$0xDD20] =	vst v3;
	v3 =	vmul.f32 $2.262741660e+01, v34  }
0x191: {  	v43 =	vld [tilespmem:s5+$0x6120];
	v48 =	vmul.f32 $2.262741660e+01, v41;
	[tilespmem:s5+$0xDD70] =	vst v45  }
0x192: {  	v50 =	vld [tilespmem:s5+$0x6170];
	[tilespmem:s5+$0xDD40] =	vst v3;
	v3 =	vmul.f32 $2.262741660e+01, v37  }
0x193: {  	v46 =	vld [tilespmem:s5+$0x6140];
	v51 =	vmul.f32 $2.262741660e+01, v44;
	[tilespmem:s5+$0xE110] =	vst v48  }
0x194: {  	v52 =	vld [tilespmem:s5+$0x6500];
	[tilespmem:s5+$0xDD60] =	vst v3;
	v3 =	vmul.f32 $2.262741660e+01, v40  }
0x195: {  	v49 =	vld [tilespmem:s5+$0x6160];
	v54 =	vmul.f32 $2.262741660e+01, v47;
	[tilespmem:s5+$0xE130] =	vst v51  }
0x196: {  	v53 =	vld [tilespmem:s5+$0x6510];
	[tilespmem:s5+$0xE100] =	vst v3;
	v3 =	vmul.f32 $2.262741660e+01, v43  }
0x197: {  	v55 =	vld [tilespmem:s5+$0x6520];
	v57 =	vmul.f32 $2.262741660e+01, v50;
	[tilespmem:s5+$0xE150] =	vst v54  }
0x198: {  	[tilespmem:s5+$0xE120] =	vst v3;
	v3 =	vmul.f32 $2.262741660e+01, v46  }
0x199: {  	v56 =	vld [tilespmem:s5+$0x6530];
	v59 =	vmul.f32 $2.262741660e+01, v52;
	[tilespmem:s5+$0xE170] =	vst v57  }
0x19a: {  	v58 =	vld [tilespmem:s5+$0x6540];
	[tilespmem:s5+$0xE140] =	vst v3;
	v3 =	vmul.f32 $2.262741660e+01, v49  }
0x19b: {  	v60 =	vld [tilespmem:s5+$0x6560];
	v8 =	vmul.f32 $2.262741660e+01, v53;
	[tilespmem:s5+$0xE500] =	vst v59  }
0x19c: {  	v9 =	vmul.f32 $2.262741660e+01, v55;
	[tilespmem:s5+$0xE160] =	vst v3;
	v3 =	vld [tilespmem:s5+$0x6550]  }
0x19d: {  	v10 =	vmul.f32 $2.262741660e+01, v23;
	[tilespmem:s5+$0xE510] =	vst v8  }
0x19e: {  	v61 =	vmul.f32 $2.262741660e+01, v56;
	[tilespmem:s5+$0xE520] =	vst v9  }
0x19f: {  	p0 =	seq.s32 s8, $0x63;
	v62 =	vmul.f32 $2.262741660e+01, v58;
	[tilespmem:s10+$0xE560] =	vst v10  }
.Ltmp7:
0x1a0: {  	v63 =	vmul.f32 $2.262741660e+01, v60;
	[tilespmem:s5+$0xE530] =	vst v61;
	(pc) =	sbr.rel @p0 .LBB2_12-.Ltmp7, $4  }
0x1a1: {  	[tilespmem:s5+$0xE540] =	vst v62;
	v3 =	vmul.f32 $2.262741660e+01, v3  }
0x1a2: {  	s13 =	sshll.u32 s8, $0xC;
	[tilespmem:s5+$0xE560] =	vst v63  }
0x1a3: {  	s0 =	sadd.s32 s9, s13;
	[tilespmem:s5+$0xE550] =	vst v3  }
0x1a4: {  	[hbm4b:s0+s4] =	stream.linear.scatter [tilespmem:s2], [sflag:$0x4], $0x4000, $0x38;
	[tilespmem:$0x11900] =	vst v63  }
0x1a5: {  	s0 =	sshll.u32 s8, $0x6  }
0x1a6: {  	s0 =	sand.u32 $0x3FFFFFC0, s0  }
0x1a7: {  	v3 =	vld [tilespmem:s0+$0x60];
	_ =	sdelay $0x4  }
0x1a8: {  	v4 =	vshll.u32 v3, $0x2  }
0x1a9: {  	v3 =	vand.u32 $0x7, v3;
	v4 =	vand.u32 $0xFFFFFFE0, v4  }
0x1aa: {  	v3 =	vor.u32 v3, v4  }
0x1ab: {  	v4 =	vperm.xlane v3, v0;
	_ =	sdelay $0x1  }
0x1ac: {  	v4 =	vadd.s32 v1, v4;
	_ =	sdelay $0x1  }
0x1ad: {  	v3 =	vperm.xlane v3, v2;
	_ =	sdelay $0x1  }
0x1ae: {  	v3 =	vadd.s32 v1, v3  }
0x1af: {  	[tilespmem:s19], [sflag:$0x2] =	stream.indirect_vreg.gather [hbm4b:s1+s4], $0x80, v4, vm0, $0xb8;
	[tilespmem:$0x11900] =	vst v63  }
0x1b0: {  	_ = 	snop  }
0x1b1: {  	[tilespmem:s20], [sflag:$0x2] =	stream.indirect_vreg.gather [hbm4b:s6+s4], $0x80, v4, vm0, $0xb8;
	[tilespmem:$0x11900] =	vst v63  }
0x1b2: {  	_ = 	snop  }
0x1b3: {  	[tilespmem:s21], [sflag:$0x2] =	stream.indirect_vreg.gather [hbm4b:s1+s4], $0x80, v3, vm0, $0xb8;
	[tilespmem:$0x11900] =	vst v63  }
0x1b4: {  	_ = 	snop  }
0x1b5: {  	[tilespmem:s22], [sflag:$0x2] =	stream.indirect_vreg.gather [hbm4b:s6+s4], $0x80, v3, vm0, $0xb8;
	[tilespmem:$0x11900] =	vst v63  }
0x1b6: {  	v3 =	vld [tilespmem:s0+$0x70];
	_ =	sdelay $0x4  }
0x1b7: {  	v63 =	vshll.u32 v3, $0x2  }
0x1b8: {  	v3 =	vand.u32 $0x7, v3;
	v4 =	vand.u32 $0xFFFFFFE0, v63  }
0x1b9: {  	v3 =	vor.u32 v3, v4  }
0x1ba: {  	v4 =	vperm.xlane v3, v0;
	_ =	sdelay $0x1  }
0x1bb: {  	v4 =	vadd.s32 v1, v4;
	_ =	sdelay $0x2  }
0x1bc: {  	v3 =	vperm.xlane v3, v2;
	_ =	sdelay $0x1  }
0x1bd: {  	v3 =	vadd.s32 v1, v3;
	[tilespmem:s23], [sflag:$0x2] =	stream.indirect_vreg.gather [hbm4b:s1+s4], $0x80, v4, vm0, $0xb8;
	[tilespmem:$0x11900] =	vst v63  }
0x1be: {  	_ = 	snop  }
0x1bf: {  	[tilespmem:s24], [sflag:$0x2] =	stream.indirect_vreg.gather [hbm4b:s6+s4], $0x80, v4, vm0, $0xb8;
	[tilespmem:$0x11900] =	vst v63  }
.Ltmp8:
0x1c0: {  	_ = 	snop;
	(pc) =	sbr.rel .LBB2_2-.Ltmp8, $4  }
0x1c1: {  	_ = 	snop  }
0x1c2: {  	[tilespmem:s25], [sflag:$0x2] =	stream.indirect_vreg.gather [hbm4b:s1+s4], $0x80, v3, vm0, $0xb8;
	[tilespmem:$0x11900] =	vst v63  }
0x1c3: {  	s8 =	sadd.s32 $0x1, s8  }
0x1c4: {  	[tilespmem:s26], [sflag:$0x2] =	stream.indirect_vreg.gather [hbm4b:s6+s4], $0x80, v3, vm0, $0xb8;
	[tilespmem:$0x11900] =	vst v63  }
.LBB2_13:
0x1c5: {  	_ =	sfence.sel $0x180000  }
0x1c6: {  	[bflag:$0x0] =	sbarrier.arrive $0xFFFF  }
0x1c7: {  	_ =	strace $0x90000047  }
0x1c8: {  	s0 =	stileid.u32;
	[bflag:$0x2] =	sbarrier.arrive $0xFFFF  }
0x1c9: {  	p0 =	sne.s32 s0, $0x0;
	s0 =	rddreg [dreg:$0x3]  }
0x1ca: {  	s0 =	sadd.s32 @!p0 $0x100000, s0  }
0x1cb: {  	[sflag:s0] =	ssyncadd.tile.s32 @!p0 $0x1;
	_ =	shalt  }
.Lfunc_end2:
_tile_overlayer_lowered:
.L_overlay_start_2:
0x1cc: {  	(tag) =	ssettag $0x2  }
0x1cd: {  	s0 =	rddreg [dreg:$0x0];
	s2 =	stileid.u32  }
0x1ce: {  	s1 =	rddreg [dreg:$0x1];
	p0 =	sne.s32 s2, $0x0  }
0x1cf: {  	s3 =	rddreg [dreg:$0x2];
	[bflag:$0x3] =	sbarrier.arrive $0xFFFF;
	s2 =	simm.s32 @!p0 $0x1C05  }
0x1d0: {  	[timem:s3], [sflag:s2] =	dma.local @!p0 [hbm:s0], s1  }
0x1d1: {  	s0 =	simm.s32 @!p0 $0x5  }
0x1d2: {  	_ =	swait.ge @!p0 [sflag:s0], s1  }
0x1d3: {  	s1 =	ssub.s32 @!p0 $0x0, s1;
	[sflag:s0] =	ssyncset.done @!p0 $0x0  }
0x1d4: {  	[sflag:s0] =	ssyncadd.s32 @!p0 s1  }
0x1d5: {  	[bflag:$0x3] =	sbarrier.arrive $0xFFFF  }
0x1d6: {  	_ =	shalt  }

</sc_bundles>
